<compile_context>
chip_gen: v7x
topology: tpu7x:2x2x1
jax: 0.10.2.dev20260603
libtpu: 0.0.44.dev20260713+nightly
codegen_flags: <defaults>
</compile_context>

<pallas_src>
import functools

import jax
import jax.numpy as jnp
from jax import lax
from jax.experimental import pallas as pl
from jax.experimental.pallas import tpu as pltpu
from jax.experimental.pallas import tpu_sc as plsc

B_ = 8192
D_IN_ = 512
HID_ = 64
COMM_ = 256
K_ = 8192
BETA_ = 0.25
KL_WEIGHT_ = 1.0

TB = 2048
KT = 1024
NBT = B_ // TB
NKT = K_ // KT


_DN_T = (((1,), (1,)), ((), ()))


def _fused_body(x_ref, we, be, w0, b0, w1, b1, wmu, bmu, wvar, bvar,
                p_ref, eps_ref, closest_ref, mu_ref, kld_ref, pn_ref):
    i = pl.program_id(0)

    @pl.when(i == 0)
    def _():
        kld_ref[0, 0] = 0.0
        ones = jnp.ones((8, COMM_), jnp.float32)
        for k in range(NKT):
            pk = p_ref[k * KT:(k + 1) * KT, :]
            pn_ref[:, k * KT:(k + 1) * KT] = lax.dot_general(
                ones, pk * pk, _DN_T)[:1]

    x = x_ref[...]
    emb = jnp.dot(x, we[...]) + be[...]
    h = jnp.maximum(jnp.dot(emb, w0[...]) + b0[...], 0.0)
    h = jnp.maximum(jnp.dot(h, w1[...]) + b1[...], 0.0)
    mu = jnp.dot(h, wmu[...]) + bmu[...]
    lv = jnp.dot(h, wvar[...]) + bvar[...]
    sample = mu + eps_ref[...] * jnp.exp(0.5 * lv)
    mu_ref[...] = mu

    snorm = jnp.sum(sample ** 2, axis=1, keepdims=True)
    sample2 = sample + sample

    iotaf = lax.broadcasted_iota(jnp.int32, (1, KT), 1).astype(jnp.float32)
    rmin = jnp.full((TB, 1), jnp.inf, jnp.float32)
    ridxf = jnp.zeros((TB, 1), jnp.float32)
    for k in range(NKT):
        pk = p_ref[k * KT:(k + 1) * KT, :]
        pn = pn_ref[:, k * KT:(k + 1) * KT]
        m2 = lax.dot_general(sample2, pk, _DN_T)
        d = snorm + pn - m2
        cmin = jnp.min(d, axis=1, keepdims=True)
        cidxf = jnp.min(jnp.where(d == cmin, iotaf + (k * KT), float(K_)),
                        axis=1, keepdims=True)
        better = cmin < rmin
        rmin = jnp.where(better, cmin, rmin)
        ridxf = jnp.where(better, cidxf, ridxf)
    closest_ref[...] = ridxf.astype(jnp.int32)

    kld_ref[0, 0] += jnp.sum((1.0 + lv) - mu ** 2 - jnp.exp(lv))


def _loss_body(q_ref, mu_ref, kldsum_ref, total_ref, cap_ref):
    i = pl.program_id(0)

    @pl.when(i == 0)
    def _():
        total_ref[0, 0] = 0.0

    diff = q_ref[...] - mu_ref[...]
    total_ref[0, 0] += jnp.sum(diff * diff)

    @pl.when(i == NBT - 1)
    def _():
        msq = total_ref[0, 0] / (B_ * COMM_)
        vq = 1.0 * (msq * BETA_ + 1.0 * msq)
        kld = -0.5 * kldsum_ref[0, 0] / B_
        total_ref[0, 0] = KL_WEIGHT_ * kld + vq
        cap_ref[0, 0] = kld


@functools.cache
def _make_sc_gather():
    info = plsc.get_sparse_core_info()
    nc, ns = info.num_cores, info.num_subcores
    bpw = B_ // (nc * ns)

    @functools.partial(
        pl.kernel,
        out_type=jax.ShapeDtypeStruct((B_, COMM_), jnp.float32),
        mesh=plsc.VectorSubcoreMesh(core_axis_name="c", subcore_axis_name="s"),
        scratch_types=[
            pltpu.VMEM((bpw,), jnp.int32),
            pltpu.VMEM((bpw, COMM_), jnp.float32),
            pltpu.SemaphoreType.DMA,
        ],
    )
    def _sc_gather(table_hbm, idx_hbm, out_hbm, idx_v, rows_v, sem):
        wid = lax.axis_index("s") * nc + lax.axis_index("c")
        base = wid * bpw
        pltpu.sync_copy(idx_hbm.at[pl.ds(base, bpw)], idx_v)
        pltpu.async_copy(table_hbm.at[idx_v], rows_v, sem).wait()
        pltpu.sync_copy(rows_v, out_hbm.at[pl.ds(base, bpw)])

    return _sc_gather


def kernel(x, W_emb, b_emb, W0, b0, W1, b1, W_mu, b_mu, W_var, b_var,
           protos, eps):
    b_emb2 = b_emb.reshape(1, HID_)
    b02 = b0.reshape(1, HID_)
    b12 = b1.reshape(1, COMM_)
    b_mu2 = b_mu.reshape(1, COMM_)
    b_var2 = b_var.reshape(1, COMM_)

    def full(shape):
        return pl.BlockSpec(shape, lambda i: (0, 0))

    closest2d, mu, kld_sum = pl.pallas_call(
        _fused_body,
        grid=(NBT,),
        in_specs=[
            pl.BlockSpec((TB, D_IN_), lambda i: (i, 0)),
            full((D_IN_, HID_)),
            full((1, HID_)),
            full((HID_, HID_)),
            full((1, HID_)),
            full((HID_, COMM_)),
            full((1, COMM_)),
            full((COMM_, COMM_)),
            full((1, COMM_)),
            full((COMM_, COMM_)),
            full((1, COMM_)),
            full((K_, COMM_)),
            pl.BlockSpec((TB, COMM_), lambda i: (i, 0)),
        ],
        out_specs=[
            pl.BlockSpec((TB, 1), lambda i: (i, 0)),
            pl.BlockSpec((TB, COMM_), lambda i: (i, 0)),
            pl.BlockSpec(memory_space=pltpu.SMEM),
        ],
        out_shape=[
            jax.ShapeDtypeStruct((B_, 1), jnp.int32),
            jax.ShapeDtypeStruct((B_, COMM_), jnp.float32),
            jax.ShapeDtypeStruct((1, 1), jnp.float32),
        ],
        scratch_shapes=[pltpu.VMEM((1, K_), jnp.float32)],
    )(x, W_emb, b_emb2, W0, b02, W1, b12, W_mu, b_mu2, W_var, b_var2,
      protos, eps)

    quantized = _make_sc_gather()(protos, closest2d.reshape(B_))

    total, cap = pl.pallas_call(
        _loss_body,
        grid=(NBT,),
        in_specs=[
            pl.BlockSpec((TB, COMM_), lambda i: (i, 0)),
            pl.BlockSpec((TB, COMM_), lambda i: (i, 0)),
            pl.BlockSpec(memory_space=pltpu.SMEM),
        ],
        out_specs=[
            pl.BlockSpec(memory_space=pltpu.SMEM),
            pl.BlockSpec(memory_space=pltpu.SMEM),
        ],
        out_shape=[
            jax.ShapeDtypeStruct((1, 1), jnp.float32),
            jax.ShapeDtypeStruct((1, 1), jnp.float32),
        ],
    )(quantized, mu, kld_sum)

    return (quantized, total.reshape(()), cap.reshape(()))

# --- scband reference (transcript-rebuilt; emitter-appended) ---
"""Pipeline reference for scband-vq-77438260347296 (READ-ONLY COPY).

The authoritative reference and input builder live on the scoring server;
editing this copy changes nothing except your own understanding.
"""

import jax, jax.numpy as jnp
import numpy as np

B = 8192
D_IN = 512
HID = 64
COMM = 256
K = 8192
BETA = 0.25
KL_WEIGHT = 1.0


def setup_inputs(seed: int = 0) -> dict:
    key = jax.random.key(seed)
    ks = jax.random.split(key, 13)
    s = 0.02
    inp = {
        "x": jax.random.normal(ks[0], (B, D_IN), dtype=jnp.float32),
        "W_emb": jax.random.normal(ks[1], (D_IN, HID), dtype=jnp.float32) * s,
        "b_emb": jnp.zeros((HID,), jnp.float32),
        "W0": jax.random.normal(ks[2], (HID, HID), dtype=jnp.float32) * s,
        "b0": jnp.zeros((HID,), jnp.float32),
        "W1": jax.random.normal(ks[3], (HID, COMM), dtype=jnp.float32) * s,
        "b1": jnp.zeros((COMM,), jnp.float32),
        "W_mu": jax.random.normal(ks[4], (COMM, COMM), dtype=jnp.float32) * s,
        "b_mu": jnp.zeros((COMM,), jnp.float32),
        "W_var": jax.random.normal(ks[5], (COMM, COMM), dtype=jnp.float32) * s,
        "b_var": jnp.zeros((COMM,), jnp.float32),
        "protos": jax.random.uniform(ks[6], (K, COMM), dtype=jnp.float32, minval=-1.0 / K, maxval=1.0 / K),
        "eps": jax.random.normal(ks[7], (B, COMM), dtype=jnp.float32),
    }
    return inp


def reference(x, W_emb, b_emb, W0, b0, W1, b1, W_mu, b_mu, W_var, b_var, protos, eps):
    sg = jax.lax.stop_gradient
    # encoder MLP
    embedded = x @ W_emb + b_emb                      # [B, HID]
    h = jnp.reshape(embedded, (-1, HID * 1))          # num_imgs = 1
    h = jax.nn.relu(h @ W0 + b0)
    h = jax.nn.relu(h @ W1 + b1)                      # [B, COMM]
    reshaped = jnp.reshape(h, (-1, COMM))             # proto_latent_dim == COMM
    mu = reshaped @ W_mu + b_mu
    logvar = reshaped @ W_var + b_var
    sample = mu + eps * jnp.exp(0.5 * logvar)         # reparameterize
    # VQ layer (mus=mu, logvar=logvar, entropy_weight=0 -> ent branch skipped)
    dists = (jnp.sum(sample ** 2, axis=1, keepdims=True)
             + jnp.sum(protos ** 2, axis=1)
             - 2.0 * sample @ protos.T)               # [B, K]
    closest = jnp.argmin(dists, axis=1)               # [B]
    one_hot = jax.nn.one_hot(closest, K, dtype=jnp.float32)  # [B, K]
    quantized = one_hot @ protos                      # [B, COMM]
    commitment_loss = jnp.mean((sg(quantized) - mu) ** 2)
    embedding_loss = jnp.mean((quantized - sg(mu)) ** 2)
    vq_loss = 1.0 * (commitment_loss * BETA + 1.0 * embedding_loss)
    # straight-through
    quantized_st = sample + sg(quantized - sample)
    output = jnp.reshape(quantized_st, (-1, COMM))
    kld_loss = jnp.mean(-0.5 * jnp.sum(1.0 + logvar - mu ** 2 - jnp.exp(logvar), axis=1))
    total_loss = KL_WEIGHT * kld_loss + vq_loss
    capacity = kld_loss
    return (output, total_loss, capacity)

if __name__ == "__main__":
    import jax
    _d = setup_inputs()
    print(jax.jit(kernel)(*tuple(_d.values())))

</pallas_src>

<mosaic_0001>
#map = affine_map<(d0, d1) -> (0, 0)>
#map1 = affine_map<(d0, d1) -> (0)>
module attributes {stable_mosaic.version = 14 : i64} {
  func.func @_sc_gather(%arg0: i32, %arg1: i32, %arg2: memref<8192x256xf32, #tpu.memory_space<hbm>>, %arg3: memref<8192xi32, #tpu.memory_space<hbm>>, %arg4: memref<8192x256xf32, #tpu.memory_space<hbm>>, %arg5: memref<256xi32, #tpu.memory_space<vmem>>, %arg6: memref<256x256xf32, #tpu.memory_space<vmem>>, %arg7: memref<!tpu.dma_semaphore, #tpu.memory_space<semaphore_mem>>) attributes {dimension_semantics = [#tpu.dimension_semantics<core_parallel>, #tpu.dimension_semantics<subcore_parallel>], iteration_bounds = array<i64: 2, 16>, scalar_prefetch = 0 : i64, scratch_operands = 3 : i64, tpu.core_type = #tpu.core_type<sc_vector_subcore>, window_params = [{transform_indices = #map}, {transform_indices = #map1}, {transform_indices = #map}]} {
    %mul3A = arith.constant 2 : i32
    %mul3A_0 = arith.muli %arg1, %mul3A : i32
    %add3A = arith.addi %mul3A_0, %arg0 : i32
    %mul3A_1 = arith.constant 256 : i32
    %mul3A_2 = arith.muli %add3A, %mul3A_1 : i32
    "tpu.region"() ({
      %run_scoped3A = tpu.sem_alloc : memref<!tpu.dma_semaphore, #tpu.memory_space<semaphore_mem>>
      %dma_start3A_7 = tpu.memref_slice %arg3[%mul3A_2] : memref<8192xi32, #tpu.memory_space<hbm>> -> memref<256xi32, #tpu.memory_space<hbm>>
      %dma_start3A_8 = tpu.memref_slice %arg3[%mul3A_2] : memref<8192xi32, #tpu.memory_space<hbm>> -> memref<256xi32, #tpu.memory_space<hbm>>
      tpu.enqueue_dma source(%dma_start3A_8 : memref<256xi32, #tpu.memory_space<hbm>>) target(%arg5 : memref<256xi32, #tpu.memory_space<vmem>>) target_semaphore(%run_scoped3A : memref<!tpu.dma_semaphore, #tpu.memory_space<semaphore_mem>>)
      %dma_wait3A_9 = tpu.memref_slice %arg3[%mul3A_2] : memref<8192xi32, #tpu.memory_space<hbm>> -> memref<256xi32, #tpu.memory_space<hbm>>
      %dma_wait3A_10 = tpu.memref_slice %arg3[%mul3A_2] : memref<8192xi32, #tpu.memory_space<hbm>> -> memref<256xi32, #tpu.memory_space<hbm>>
      tpu.wait_dma2 semaphore(%run_scoped3A : memref<!tpu.dma_semaphore, #tpu.memory_space<semaphore_mem>>) src(%dma_wait3A_10 : memref<256xi32, #tpu.memory_space<hbm>>) dst(%arg5 : memref<256xi32, #tpu.memory_space<vmem>>)
      tpu.yield
    }) : () -> ()
    %dma_start3A = arith.constant 0 : i32
    %dma_start3A_3 = arith.constant 0 : i32
    %dma_start3A_4 = tpu.memref_slice %arg2[%dma_start3A, %dma_start3A_3] : memref<8192x256xf32, #tpu.memory_space<hbm>> -> memref<8192x256xf32, #tpu.memory_space<hbm>>
    tpu.enqueue_indirect_dma source(%dma_start3A_4 : memref<8192x256xf32, #tpu.memory_space<hbm>>) target(%arg6 : memref<256x256xf32, #tpu.memory_space<vmem>>) offsets(%arg5 : memref<256xi32, #tpu.memory_space<vmem>>) semaphore(%arg7 : memref<!tpu.dma_semaphore, #tpu.memory_space<semaphore_mem>>)
    %dma_wait3A = arith.constant 0 : i32
    %dma_wait3A_5 = arith.constant 0 : i32
    %dma_wait3A_6 = tpu.memref_slice %arg2[%dma_wait3A, %dma_wait3A_5] : memref<8192x256xf32, #tpu.memory_space<hbm>> -> memref<8192x256xf32, #tpu.memory_space<hbm>>
    tpu.wait_indirect_dma semaphore(%arg7 : memref<!tpu.dma_semaphore, #tpu.memory_space<semaphore_mem>>) src(%dma_wait3A_6 : memref<8192x256xf32, #tpu.memory_space<hbm>>) dst(%arg6 : memref<256x256xf32, #tpu.memory_space<vmem>>)
    "tpu.region"() ({
      %run_scoped3A = tpu.sem_alloc : memref<!tpu.dma_semaphore, #tpu.memory_space<semaphore_mem>>
      %dma_start3A_7 = arith.constant 0 : i32
      %dma_start3A_8 = tpu.memref_slice %arg4[%mul3A_2, %dma_start3A_7] : memref<8192x256xf32, #tpu.memory_space<hbm>> -> memref<256x256xf32, #tpu.memory_space<hbm>>
      %dma_start3A_9 = arith.constant 0 : i32
      %dma_start3A_10 = tpu.memref_slice %arg4[%mul3A_2, %dma_start3A_9] : memref<8192x256xf32, #tpu.memory_space<hbm>> -> memref<256x256xf32, #tpu.memory_space<hbm>>
      tpu.enqueue_dma source(%arg6 : memref<256x256xf32, #tpu.memory_space<vmem>>) target(%dma_start3A_10 : memref<256x256xf32, #tpu.memory_space<hbm>>) target_semaphore(%run_scoped3A : memref<!tpu.dma_semaphore, #tpu.memory_space<semaphore_mem>>)
      %dma_wait3A_11 = arith.constant 0 : i32
      %dma_wait3A_12 = tpu.memref_slice %arg4[%mul3A_2, %dma_wait3A_11] : memref<8192x256xf32, #tpu.memory_space<hbm>> -> memref<256x256xf32, #tpu.memory_space<hbm>>
      %dma_wait3A_13 = arith.constant 0 : i32
      %dma_wait3A_14 = tpu.memref_slice %arg4[%mul3A_2, %dma_wait3A_13] : memref<8192x256xf32, #tpu.memory_space<hbm>> -> memref<256x256xf32, #tpu.memory_space<hbm>>
      tpu.wait_dma2 semaphore(%run_scoped3A : memref<!tpu.dma_semaphore, #tpu.memory_space<semaphore_mem>>) src(%arg6 : memref<256x256xf32, #tpu.memory_space<vmem>>) dst(%dma_wait3A_14 : memref<256x256xf32, #tpu.memory_space<hbm>>)
      tpu.yield
    }) : () -> ()
    return
  }
}

module attributes {stable_mosaic.version = 14 : i64} {
  func.func @_loss_body(%arg0: i32, %arg1: memref<2048x256xf32, #tpu.memory_space<vmem>>, %arg2: memref<2048x256xf32, #tpu.memory_space<vmem>>, %arg3: memref<1x1xf32, #tpu.memory_space<smem>>, %arg4: memref<1x1xf32, #tpu.memory_space<smem>>, %arg5: memref<1x1xf32, #tpu.memory_space<smem>>) attributes {dimension_semantics = [#tpu.dimension_semantics<arbitrary>], iteration_bounds = array<i64: 4>, scalar_prefetch = 0 : i64, scratch_operands = 0 : i64, tpu.core_type = #tpu.core_type<tc>, window_params = [{transform_indices = @transform_0, window_bounds = array<i64: 2048, 256>}, {transform_indices = @transform_1, window_bounds = array<i64: 2048, 256>}, {transform_indices = @transform_2, window_bounds = array<i64: 1, 1>}, {transform_indices = @transform_3, window_bounds = array<i64: 1, 1>}, {transform_indices = @transform_4, window_bounds = array<i64: 1, 1>}]} {
    %eq3A = arith.constant 0 : i32
    %eq3A_0 = arith.cmpi eq, %arg0, %eq3A : i32
    %convert_element_type3A = arith.extui %eq3A_0 : i1 to i32
    %cond3A = arith.constant 0 : i32
    %cond3A_1 = arith.cmpi ne, %convert_element_type3A, %cond3A : i32
    scf.if %cond3A_1 {
      %swap3A_21 = arith.constant 0.000000e+00 : f32
      %swap3A_22 = arith.constant 0 : index
      %swap3A_23 = arith.constant 0 : index
      %swap3A_24 = memref.load %arg4[%swap3A_22, %swap3A_23] : memref<1x1xf32, #tpu.memory_space<smem>>
      memref.store %swap3A_21, %arg4[%swap3A_22, %swap3A_23] : memref<1x1xf32, #tpu.memory_space<smem>>
    } else {
    }
    %get3A = arith.constant 0 : index
    %get3A_2 = arith.constant 0 : index
    %get3A_3 = vector.load %arg1[%get3A, %get3A_2] : memref<2048x256xf32, #tpu.memory_space<vmem>>, vector<2048x256xf32>
    %get3A_4 = arith.constant 0 : index
    %get3A_5 = arith.constant 0 : index
    %get3A_6 = vector.load %arg2[%get3A_4, %get3A_5] : memref<2048x256xf32, #tpu.memory_space<vmem>>, vector<2048x256xf32>
    %sub3A = arith.subf %get3A_3, %get3A_6 : vector<2048x256xf32>
    %get3A_7 = arith.constant 0 : index
    %get3A_8 = arith.constant 0 : index
    %get3A_9 = memref.load %arg4[%get3A_7, %get3A_8] : memref<1x1xf32, #tpu.memory_space<smem>>
    %mul3A = arith.mulf %sub3A, %sub3A : vector<2048x256xf32>
    %reduce_sum3A = vector.shape_cast %mul3A : vector<2048x256xf32> to vector<1x2048x256xf32>
    %reduce_sum3A_10 = arith.constant dense<0.000000e+00> : vector<1xf32>
    %reduce_sum3A_11 = vector.multi_reduction <add>, %reduce_sum3A, %reduce_sum3A_10 [1, 2] : vector<1x2048x256xf32> to vector<1xf32>
    %reduce_sum3A_12 = vector.shape_cast %reduce_sum3A_11 : vector<1xf32> to vector<1x1x1xf32>
    %reduce_sum3A_13 = vector.extract %reduce_sum3A_12[0, 0, 0] : f32 from vector<1x1x1xf32>
    %add3A = arith.addf %get3A_9, %reduce_sum3A_13 : f32
    %swap3A = arith.constant 0 : index
    %swap3A_14 = arith.constant 0 : index
    %swap3A_15 = memref.load %arg4[%swap3A, %swap3A_14] : memref<1x1xf32, #tpu.memory_space<smem>>
    memref.store %add3A, %arg4[%swap3A, %swap3A_14] : memref<1x1xf32, #tpu.memory_space<smem>>
    %eq3A_16 = arith.constant 3 : i32
    %eq3A_17 = arith.cmpi eq, %arg0, %eq3A_16 : i32
    %convert_element_type3A_18 = arith.extui %eq3A_17 : i1 to i32
    %cond3A_19 = arith.constant 0 : i32
    %cond3A_20 = arith.cmpi ne, %convert_element_type3A_18, %cond3A_19 : i32
    scf.if %cond3A_20 {
      %get3A_21 = arith.constant 0 : index
      %get3A_22 = arith.constant 0 : index
      %get3A_23 = memref.load %arg4[%get3A_21, %get3A_22] : memref<1x1xf32, #tpu.memory_space<smem>>
      %div3A = arith.constant 0x4A000000 : f32
      %div3A_24 = arith.divf %get3A_23, %div3A : f32
      %mul3A_25 = arith.constant 2.500000e-01 : f32
      %mul3A_26 = arith.mulf %div3A_24, %mul3A_25 : f32
      %mul3A_27 = arith.constant 1.000000e+00 : f32
      %mul3A_28 = arith.mulf %mul3A_27, %div3A_24 : f32
      %add3A_29 = arith.addf %mul3A_26, %mul3A_28 : f32
      %mul3A_30 = arith.constant 1.000000e+00 : f32
      %mul3A_31 = arith.mulf %mul3A_30, %add3A_29 : f32
      %get3A_32 = arith.constant 0 : index
      %get3A_33 = arith.constant 0 : index
      %get3A_34 = memref.load %arg3[%get3A_32, %get3A_33] : memref<1x1xf32, #tpu.memory_space<smem>>
      %mul3A_35 = arith.constant -5.000000e-01 : f32
      %mul3A_36 = arith.mulf %mul3A_35, %get3A_34 : f32
      %div3A_37 = arith.constant 8.192000e+03 : f32
      %div3A_38 = arith.divf %mul3A_36, %div3A_37 : f32
      %mul3A_39 = arith.constant 1.000000e+00 : f32
      %mul3A_40 = arith.mulf %mul3A_39, %div3A_38 : f32
      %add3A_41 = arith.addf %mul3A_40, %mul3A_31 : f32
      %swap3A_42 = arith.constant 0 : index
      %swap3A_43 = arith.constant 0 : index
      %swap3A_44 = memref.load %arg4[%swap3A_42, %swap3A_43] : memref<1x1xf32, #tpu.memory_space<smem>>
      memref.store %add3A_41, %arg4[%swap3A_42, %swap3A_43] : memref<1x1xf32, #tpu.memory_space<smem>>
      %swap3A_45 = arith.constant 0 : index
      %swap3A_46 = arith.constant 0 : index
      %swap3A_47 = memref.load %arg5[%swap3A_45, %swap3A_46] : memref<1x1xf32, #tpu.memory_space<smem>>
      memref.store %div3A_38, %arg5[%swap3A_45, %swap3A_46] : memref<1x1xf32, #tpu.memory_space<smem>>
    } else {
    }
    return
  }
  func.func @transform_0(%arg0: i32) -> (i32, i32) {
    %c0_i32 = arith.constant 0 : i32
    %c0_i32_0 = arith.constant 0 : i32
    return %arg0, %c0_i32 : i32, i32
  }
  func.func @transform_1(%arg0: i32) -> (i32, i32) {
    %c0_i32 = arith.constant 0 : i32
    %c0_i32_0 = arith.constant 0 : i32
    return %arg0, %c0_i32 : i32, i32
  }
  func.func @transform_2(%arg0: i32) -> (i32, i32) {
    %c0_i32 = arith.constant 0 : i32
    %c0_i32_0 = arith.constant 0 : i32
    %c0_i32_1 = arith.constant 0 : i32
    return %c0_i32, %c0_i32_0 : i32, i32
  }
  func.func @transform_3(%arg0: i32) -> (i32, i32) {
    %c0_i32 = arith.constant 0 : i32
    %c0_i32_0 = arith.constant 0 : i32
    %c0_i32_1 = arith.constant 0 : i32
    return %c0_i32, %c0_i32_0 : i32, i32
  }
  func.func @transform_4(%arg0: i32) -> (i32, i32) {
    %c0_i32 = arith.constant 0 : i32
    %c0_i32_0 = arith.constant 0 : i32
    %c0_i32_1 = arith.constant 0 : i32
    return %c0_i32, %c0_i32_0 : i32, i32
  }
}

module attributes {stable_mosaic.version = 14 : i64} {
  func.func @_fused_body(%arg0: i32, %arg1: memref<2048x512xf32, #tpu.memory_space<vmem>>, %arg2: memref<512x64xf32, #tpu.memory_space<vmem>>, %arg3: memref<1x64xf32, #tpu.memory_space<vmem>>, %arg4: memref<64x64xf32, #tpu.memory_space<vmem>>, %arg5: memref<1x64xf32, #tpu.memory_space<vmem>>, %arg6: memref<64x256xf32, #tpu.memory_space<vmem>>, %arg7: memref<1x256xf32, #tpu.memory_space<vmem>>, %arg8: memref<256x256xf32, #tpu.memory_space<vmem>>, %arg9: memref<1x256xf32, #tpu.memory_space<vmem>>, %arg10: memref<256x256xf32, #tpu.memory_space<vmem>>, %arg11: memref<1x256xf32, #tpu.memory_space<vmem>>, %arg12: memref<8192x256xf32, #tpu.memory_space<vmem>>, %arg13: memref<2048x256xf32, #tpu.memory_space<vmem>>, %arg14: memref<2048x1xi32, #tpu.memory_space<vmem>>, %arg15: memref<2048x256xf32, #tpu.memory_space<vmem>>, %arg16: memref<1x1xf32, #tpu.memory_space<smem>>, %arg17: memref<1x8192xf32, #tpu.memory_space<vmem>>) attributes {dimension_semantics = [#tpu.dimension_semantics<arbitrary>], iteration_bounds = array<i64: 4>, scalar_prefetch = 0 : i64, scratch_operands = 1 : i64, tpu.core_type = #tpu.core_type<tc>, window_params = [{transform_indices = @transform_0, window_bounds = array<i64: 2048, 512>}, {pipeline_mode = #tpu.pipeline_mode<synchronous>, transform_indices = @transform_1, window_bounds = array<i64: 512, 64>}, {pipeline_mode = #tpu.pipeline_mode<synchronous>, transform_indices = @transform_2, window_bounds = array<i64: 1, 64>}, {pipeline_mode = #tpu.pipeline_mode<synchronous>, transform_indices = @transform_3, window_bounds = array<i64: 64, 64>}, {pipeline_mode = #tpu.pipeline_mode<synchronous>, transform_indices = @transform_4, window_bounds = array<i64: 1, 64>}, {pipeline_mode = #tpu.pipeline_mode<synchronous>, transform_indices = @transform_5, window_bounds = array<i64: 64, 256>}, {pipeline_mode = #tpu.pipeline_mode<synchronous>, transform_indices = @transform_6, window_bounds = array<i64: 1, 256>}, {pipeline_mode = #tpu.pipeline_mode<synchronous>, transform_indices = @transform_7, window_bounds = array<i64: 256, 256>}, {pipeline_mode = #tpu.pipeline_mode<synchronous>, transform_indices = @transform_8, window_bounds = array<i64: 1, 256>}, {pipeline_mode = #tpu.pipeline_mode<synchronous>, transform_indices = @transform_9, window_bounds = array<i64: 256, 256>}, {pipeline_mode = #tpu.pipeline_mode<synchronous>, transform_indices = @transform_10, window_bounds = array<i64: 1, 256>}, {pipeline_mode = #tpu.pipeline_mode<synchronous>, transform_indices = @transform_11, window_bounds = array<i64: 8192, 256>}, {transform_indices = @transform_12, window_bounds = array<i64: 2048, 256>}, {transform_indices = @transform_13, window_bounds = array<i64: 2048, 1>}, {transform_indices = @transform_14, window_bounds = array<i64: 2048, 256>}, {transform_indices = @transform_15, window_bounds = array<i64: 1, 1>}]} {
    %eq3A = arith.constant 0 : i32
    %eq3A_0 = arith.cmpi eq, %arg0, %eq3A : i32
    %convert_element_type3A = arith.extui %eq3A_0 : i1 to i32
    %cond3A = arith.constant 0 : i32
    %cond3A_1 = arith.cmpi ne, %convert_element_type3A, %cond3A : i32
    scf.if %cond3A_1 {
      %swap3A_338 = arith.constant 0.000000e+00 : f32
      %swap3A_339 = arith.constant 0 : index
      %swap3A_340 = arith.constant 0 : index
      %swap3A_341 = memref.load %arg16[%swap3A_339, %swap3A_340] : memref<1x1xf32, #tpu.memory_space<smem>>
      memref.store %swap3A_338, %arg16[%swap3A_339, %swap3A_340] : memref<1x1xf32, #tpu.memory_space<smem>>
      %broadcast_in_dim3A_342 = arith.constant 1.000000e+00 : f32
      %broadcast_in_dim3A_343 = vector.broadcast %broadcast_in_dim3A_342 : f32 to vector<8x256xf32>
      %get3A_344 = arith.constant 0 : index
      %get3A_345 = arith.constant 0 : index
      %get3A_346 = vector.load %arg12[%get3A_344, %get3A_345] : memref<8192x256xf32, #tpu.memory_space<vmem>>, vector<1024x256xf32>
      %mul3A_347 = arith.mulf %get3A_346, %get3A_346 : vector<1024x256xf32>
      %dot_general3A_348 = arith.constant dense<0.000000e+00> : vector<8x1024xf32>
      %dot_general3A_349 = tpu.matmul %broadcast_in_dim3A_343, %mul3A_347, %dot_general3A_348 {dimension_numbers = #tpu.dot_dimension_numbers<[1], [1], [0], [0], [0, 0, 1, 0], [], []>, transpose_lhs_hint = false} : vector<8x256xf32>, vector<1024x256xf32>, vector<8x1024xf32> -> vector<8x1024xf32>
      %slice3A = vector.extract_strided_slice %dot_general3A_349 {offsets = [0, 0], sizes = [1, 1024], strides = [1, 1]} : vector<8x1024xf32> to vector<1x1024xf32>
      %swap3A_350 = arith.constant 0 : index
      %swap3A_351 = arith.constant 0 : index
      %swap3A_352 = vector.load %arg17[%swap3A_350, %swap3A_351] : memref<1x8192xf32, #tpu.memory_space<vmem>>, vector<1x1024xf32>
      tpu.vector_store %arg17[%swap3A_350, %swap3A_351], %slice3A {strides = array<i32>} : memref<1x8192xf32, #tpu.memory_space<vmem>>, vector<1x1024xf32>,
      %get3A_353 = arith.constant 1024 : index
      %get3A_354 = arith.constant 0 : index
      %get3A_355 = vector.load %arg12[%get3A_353, %get3A_354] : memref<8192x256xf32, #tpu.memory_space<vmem>>, vector<1024x256xf32>
      %mul3A_356 = arith.mulf %get3A_355, %get3A_355 : vector<1024x256xf32>
      %dot_general3A_357 = arith.constant dense<0.000000e+00> : vector<8x1024xf32>
      %dot_general3A_358 = tpu.matmul %broadcast_in_dim3A_343, %mul3A_356, %dot_general3A_357 {dimension_numbers = #tpu.dot_dimension_numbers<[1], [1], [0], [0], [0, 0, 1, 0], [], []>, transpose_lhs_hint = false} : vector<8x256xf32>, vector<1024x256xf32>, vector<8x1024xf32> -> vector<8x1024xf32>
      %slice3A_359 = vector.extract_strided_slice %dot_general3A_358 {offsets = [0, 0], sizes = [1, 1024], strides = [1, 1]} : vector<8x1024xf32> to vector<1x1024xf32>
      %swap3A_360 = arith.constant 0 : index
      %swap3A_361 = arith.constant 1024 : index
      %swap3A_362 = vector.load %arg17[%swap3A_360, %swap3A_361] : memref<1x8192xf32, #tpu.memory_space<vmem>>, vector<1x1024xf32>
      tpu.vector_store %arg17[%swap3A_360, %swap3A_361], %slice3A_359 {strides = array<i32>} : memref<1x8192xf32, #tpu.memory_space<vmem>>, vector<1x1024xf32>,
      %get3A_363 = arith.constant 2048 : index
      %get3A_364 = arith.constant 0 : index
      %get3A_365 = vector.load %arg12[%get3A_363, %get3A_364] : memref<8192x256xf32, #tpu.memory_space<vmem>>, vector<1024x256xf32>
      %mul3A_366 = arith.mulf %get3A_365, %get3A_365 : vector<1024x256xf32>
      %dot_general3A_367 = arith.constant dense<0.000000e+00> : vector<8x1024xf32>
      %dot_general3A_368 = tpu.matmul %broadcast_in_dim3A_343, %mul3A_366, %dot_general3A_367 {dimension_numbers = #tpu.dot_dimension_numbers<[1], [1], [0], [0], [0, 0, 1, 0], [], []>, transpose_lhs_hint = false} : vector<8x256xf32>, vector<1024x256xf32>, vector<8x1024xf32> -> vector<8x1024xf32>
      %slice3A_369 = vector.extract_strided_slice %dot_general3A_368 {offsets = [0, 0], sizes = [1, 1024], strides = [1, 1]} : vector<8x1024xf32> to vector<1x1024xf32>
      %swap3A_370 = arith.constant 0 : index
      %swap3A_371 = arith.constant 2048 : index
      %swap3A_372 = vector.load %arg17[%swap3A_370, %swap3A_371] : memref<1x8192xf32, #tpu.memory_space<vmem>>, vector<1x1024xf32>
      tpu.vector_store %arg17[%swap3A_370, %swap3A_371], %slice3A_369 {strides = array<i32>} : memref<1x8192xf32, #tpu.memory_space<vmem>>, vector<1x1024xf32>,
      %get3A_373 = arith.constant 3072 : index
      %get3A_374 = arith.constant 0 : index
      %get3A_375 = vector.load %arg12[%get3A_373, %get3A_374] : memref<8192x256xf32, #tpu.memory_space<vmem>>, vector<1024x256xf32>
      %mul3A_376 = arith.mulf %get3A_375, %get3A_375 : vector<1024x256xf32>
      %dot_general3A_377 = arith.constant dense<0.000000e+00> : vector<8x1024xf32>
      %dot_general3A_378 = tpu.matmul %broadcast_in_dim3A_343, %mul3A_376, %dot_general3A_377 {dimension_numbers = #tpu.dot_dimension_numbers<[1], [1], [0], [0], [0, 0, 1, 0], [], []>, transpose_lhs_hint = false} : vector<8x256xf32>, vector<1024x256xf32>, vector<8x1024xf32> -> vector<8x1024xf32>
      %slice3A_379 = vector.extract_strided_slice %dot_general3A_378 {offsets = [0, 0], sizes = [1, 1024], strides = [1, 1]} : vector<8x1024xf32> to vector<1x1024xf32>
      %swap3A_380 = arith.constant 0 : index
      %swap3A_381 = arith.constant 3072 : index
      %swap3A_382 = vector.load %arg17[%swap3A_380, %swap3A_381] : memref<1x8192xf32, #tpu.memory_space<vmem>>, vector<1x1024xf32>
      tpu.vector_store %arg17[%swap3A_380, %swap3A_381], %slice3A_379 {strides = array<i32>} : memref<1x8192xf32, #tpu.memory_space<vmem>>, vector<1x1024xf32>,
      %get3A_383 = arith.constant 4096 : index
      %get3A_384 = arith.constant 0 : index
      %get3A_385 = vector.load %arg12[%get3A_383, %get3A_384] : memref<8192x256xf32, #tpu.memory_space<vmem>>, vector<1024x256xf32>
      %mul3A_386 = arith.mulf %get3A_385, %get3A_385 : vector<1024x256xf32>
      %dot_general3A_387 = arith.constant dense<0.000000e+00> : vector<8x1024xf32>
      %dot_general3A_388 = tpu.matmul %broadcast_in_dim3A_343, %mul3A_386, %dot_general3A_387 {dimension_numbers = #tpu.dot_dimension_numbers<[1], [1], [0], [0], [0, 0, 1, 0], [], []>, transpose_lhs_hint = false} : vector<8x256xf32>, vector<1024x256xf32>, vector<8x1024xf32> -> vector<8x1024xf32>
      %slice3A_389 = vector.extract_strided_slice %dot_general3A_388 {offsets = [0, 0], sizes = [1, 1024], strides = [1, 1]} : vector<8x1024xf32> to vector<1x1024xf32>
      %swap3A_390 = arith.constant 0 : index
      %swap3A_391 = arith.constant 4096 : index
      %swap3A_392 = vector.load %arg17[%swap3A_390, %swap3A_391] : memref<1x8192xf32, #tpu.memory_space<vmem>>, vector<1x1024xf32>
      tpu.vector_store %arg17[%swap3A_390, %swap3A_391], %slice3A_389 {strides = array<i32>} : memref<1x8192xf32, #tpu.memory_space<vmem>>, vector<1x1024xf32>,
      %get3A_393 = arith.constant 5120 : index
      %get3A_394 = arith.constant 0 : index
      %get3A_395 = vector.load %arg12[%get3A_393, %get3A_394] : memref<8192x256xf32, #tpu.memory_space<vmem>>, vector<1024x256xf32>
      %mul3A_396 = arith.mulf %get3A_395, %get3A_395 : vector<1024x256xf32>
      %dot_general3A_397 = arith.constant dense<0.000000e+00> : vector<8x1024xf32>
      %dot_general3A_398 = tpu.matmul %broadcast_in_dim3A_343, %mul3A_396, %dot_general3A_397 {dimension_numbers = #tpu.dot_dimension_numbers<[1], [1], [0], [0], [0, 0, 1, 0], [], []>, transpose_lhs_hint = false} : vector<8x256xf32>, vector<1024x256xf32>, vector<8x1024xf32> -> vector<8x1024xf32>
      %slice3A_399 = vector.extract_strided_slice %dot_general3A_398 {offsets = [0, 0], sizes = [1, 1024], strides = [1, 1]} : vector<8x1024xf32> to vector<1x1024xf32>
      %swap3A_400 = arith.constant 0 : index
      %swap3A_401 = arith.constant 5120 : index
      %swap3A_402 = vector.load %arg17[%swap3A_400, %swap3A_401] : memref<1x8192xf32, #tpu.memory_space<vmem>>, vector<1x1024xf32>
      tpu.vector_store %arg17[%swap3A_400, %swap3A_401], %slice3A_399 {strides = array<i32>} : memref<1x8192xf32, #tpu.memory_space<vmem>>, vector<1x1024xf32>,
      %get3A_403 = arith.constant 6144 : index
      %get3A_404 = arith.constant 0 : index
      %get3A_405 = vector.load %arg12[%get3A_403, %get3A_404] : memref<8192x256xf32, #tpu.memory_space<vmem>>, vector<1024x256xf32>
      %mul3A_406 = arith.mulf %get3A_405, %get3A_405 : vector<1024x256xf32>
      %dot_general3A_407 = arith.constant dense<0.000000e+00> : vector<8x1024xf32>
      %dot_general3A_408 = tpu.matmul %broadcast_in_dim3A_343, %mul3A_406, %dot_general3A_407 {dimension_numbers = #tpu.dot_dimension_numbers<[1], [1], [0], [0], [0, 0, 1, 0], [], []>, transpose_lhs_hint = false} : vector<8x256xf32>, vector<1024x256xf32>, vector<8x1024xf32> -> vector<8x1024xf32>
      %slice3A_409 = vector.extract_strided_slice %dot_general3A_408 {offsets = [0, 0], sizes = [1, 1024], strides = [1, 1]} : vector<8x1024xf32> to vector<1x1024xf32>
      %swap3A_410 = arith.constant 0 : index
      %swap3A_411 = arith.constant 6144 : index
      %swap3A_412 = vector.load %arg17[%swap3A_410, %swap3A_411] : memref<1x8192xf32, #tpu.memory_space<vmem>>, vector<1x1024xf32>
      tpu.vector_store %arg17[%swap3A_410, %swap3A_411], %slice3A_409 {strides = array<i32>} : memref<1x8192xf32, #tpu.memory_space<vmem>>, vector<1x1024xf32>,
      %get3A_413 = arith.constant 7168 : index
      %get3A_414 = arith.constant 0 : index
      %get3A_415 = vector.load %arg12[%get3A_413, %get3A_414] : memref<8192x256xf32, #tpu.memory_space<vmem>>, vector<1024x256xf32>
      %mul3A_416 = arith.mulf %get3A_415, %get3A_415 : vector<1024x256xf32>
      %dot_general3A_417 = arith.constant dense<0.000000e+00> : vector<8x1024xf32>
      %dot_general3A_418 = tpu.matmul %broadcast_in_dim3A_343, %mul3A_416, %dot_general3A_417 {dimension_numbers = #tpu.dot_dimension_numbers<[1], [1], [0], [0], [0, 0, 1, 0], [], []>, transpose_lhs_hint = false} : vector<8x256xf32>, vector<1024x256xf32>, vector<8x1024xf32> -> vector<8x1024xf32>
      %slice3A_419 = vector.extract_strided_slice %dot_general3A_418 {offsets = [0, 0], sizes = [1, 1024], strides = [1, 1]} : vector<8x1024xf32> to vector<1x1024xf32>
      %swap3A_420 = arith.constant 0 : index
      %swap3A_421 = arith.constant 7168 : index
      %swap3A_422 = vector.load %arg17[%swap3A_420, %swap3A_421] : memref<1x8192xf32, #tpu.memory_space<vmem>>, vector<1x1024xf32>
      tpu.vector_store %arg17[%swap3A_420, %swap3A_421], %slice3A_419 {strides = array<i32>} : memref<1x8192xf32, #tpu.memory_space<vmem>>, vector<1x1024xf32>,
    } else {
    }
    %get3A = arith.constant 0 : index
    %get3A_2 = arith.constant 0 : index
    %get3A_3 = vector.load %arg1[%get3A, %get3A_2] : memref<2048x512xf32, #tpu.memory_space<vmem>>, vector<2048x512xf32>
    %get3A_4 = arith.constant 0 : index
    %get3A_5 = arith.constant 0 : index
    %get3A_6 = vector.load %arg2[%get3A_4, %get3A_5] : memref<512x64xf32, #tpu.memory_space<vmem>>, vector<512x64xf32>
    %dot_general3A = arith.constant dense<0.000000e+00> : vector<2048x64xf32>
    %dot_general3A_7 = tpu.matmul %get3A_3, %get3A_6, %dot_general3A {dimension_numbers = #tpu.dot_dimension_numbers<[1], [0], [0], [1], [0, 0, 1, 1], [], []>, transpose_lhs_hint = false} : vector<2048x512xf32>, vector<512x64xf32>, vector<2048x64xf32> -> vector<2048x64xf32>
    %get3A_8 = arith.constant 0 : index
    %get3A_9 = arith.constant 0 : index
    %get3A_10 = vector.load %arg3[%get3A_8, %get3A_9] : memref<1x64xf32, #tpu.memory_space<vmem>>, vector<1x64xf32>
    %add3A = vector.broadcast %get3A_10 : vector<1x64xf32> to vector<2048x64xf32>
    %add3A_11 = arith.addf %dot_general3A_7, %add3A : vector<2048x64xf32>
    %get3A_12 = arith.constant 0 : index
    %get3A_13 = arith.constant 0 : index
    %get3A_14 = vector.load %arg4[%get3A_12, %get3A_13] : memref<64x64xf32, #tpu.memory_space<vmem>>, vector<64x64xf32>
    %dot_general3A_15 = arith.constant dense<0.000000e+00> : vector<2048x64xf32>
    %dot_general3A_16 = tpu.matmul %add3A_11, %get3A_14, %dot_general3A_15 {dimension_numbers = #tpu.dot_dimension_numbers<[1], [0], [0], [1], [0, 0, 1, 1], [], []>, transpose_lhs_hint = false} : vector<2048x64xf32>, vector<64x64xf32>, vector<2048x64xf32> -> vector<2048x64xf32>
    %get3A_17 = arith.constant 0 : index
    %get3A_18 = arith.constant 0 : index
    %get3A_19 = vector.load %arg5[%get3A_17, %get3A_18] : memref<1x64xf32, #tpu.memory_space<vmem>>, vector<1x64xf32>
    %add3A_20 = vector.broadcast %get3A_19 : vector<1x64xf32> to vector<2048x64xf32>
    %add3A_21 = arith.addf %dot_general3A_16, %add3A_20 : vector<2048x64xf32>
    %max3A = arith.constant 0.000000e+00 : f32
    %max3A_22 = vector.broadcast %max3A : f32 to vector<2048x64xf32>
    %max3A_23 = arith.maximumf %add3A_21, %max3A_22 : vector<2048x64xf32>
    %get3A_24 = arith.constant 0 : index
    %get3A_25 = arith.constant 0 : index
    %get3A_26 = vector.load %arg6[%get3A_24, %get3A_25] : memref<64x256xf32, #tpu.memory_space<vmem>>, vector<64x256xf32>
    %dot_general3A_27 = arith.constant dense<0.000000e+00> : vector<2048x256xf32>
    %dot_general3A_28 = tpu.matmul %max3A_23, %get3A_26, %dot_general3A_27 {dimension_numbers = #tpu.dot_dimension_numbers<[1], [0], [0], [1], [0, 0, 1, 1], [], []>, transpose_lhs_hint = false} : vector<2048x64xf32>, vector<64x256xf32>, vector<2048x256xf32> -> vector<2048x256xf32>
    %get3A_29 = arith.constant 0 : index
    %get3A_30 = arith.constant 0 : index
    %get3A_31 = vector.load %arg7[%get3A_29, %get3A_30] : memref<1x256xf32, #tpu.memory_space<vmem>>, vector<1x256xf32>
    %add3A_32 = vector.broadcast %get3A_31 : vector<1x256xf32> to vector<2048x256xf32>
    %add3A_33 = arith.addf %dot_general3A_28, %add3A_32 : vector<2048x256xf32>
    %max3A_34 = arith.constant 0.000000e+00 : f32
    %max3A_35 = vector.broadcast %max3A_34 : f32 to vector<2048x256xf32>
    %max3A_36 = arith.maximumf %add3A_33, %max3A_35 : vector<2048x256xf32>
    %get3A_37 = arith.constant 0 : index
    %get3A_38 = arith.constant 0 : index
    %get3A_39 = vector.load %arg8[%get3A_37, %get3A_38] : memref<256x256xf32, #tpu.memory_space<vmem>>, vector<256x256xf32>
    %dot_general3A_40 = arith.constant dense<0.000000e+00> : vector<2048x256xf32>
    %dot_general3A_41 = tpu.matmul %max3A_36, %get3A_39, %dot_general3A_40 {dimension_numbers = #tpu.dot_dimension_numbers<[1], [0], [0], [1], [0, 0, 1, 1], [], []>, transpose_lhs_hint = false} : vector<2048x256xf32>, vector<256x256xf32>, vector<2048x256xf32> -> vector<2048x256xf32>
    %get3A_42 = arith.constant 0 : index
    %get3A_43 = arith.constant 0 : index
    %get3A_44 = vector.load %arg9[%get3A_42, %get3A_43] : memref<1x256xf32, #tpu.memory_space<vmem>>, vector<1x256xf32>
    %add3A_45 = vector.broadcast %get3A_44 : vector<1x256xf32> to vector<2048x256xf32>
    %add3A_46 = arith.addf %dot_general3A_41, %add3A_45 : vector<2048x256xf32>
    %get3A_47 = arith.constant 0 : index
    %get3A_48 = arith.constant 0 : index
    %get3A_49 = vector.load %arg10[%get3A_47, %get3A_48] : memref<256x256xf32, #tpu.memory_space<vmem>>, vector<256x256xf32>
    %dot_general3A_50 = arith.constant dense<0.000000e+00> : vector<2048x256xf32>
    %dot_general3A_51 = tpu.matmul %max3A_36, %get3A_49, %dot_general3A_50 {dimension_numbers = #tpu.dot_dimension_numbers<[1], [0], [0], [1], [0, 0, 1, 1], [], []>, transpose_lhs_hint = false} : vector<2048x256xf32>, vector<256x256xf32>, vector<2048x256xf32> -> vector<2048x256xf32>
    %get3A_52 = arith.constant 0 : index
    %get3A_53 = arith.constant 0 : index
    %get3A_54 = vector.load %arg11[%get3A_52, %get3A_53] : memref<1x256xf32, #tpu.memory_space<vmem>>, vector<1x256xf32>
    %add3A_55 = vector.broadcast %get3A_54 : vector<1x256xf32> to vector<2048x256xf32>
    %add3A_56 = arith.addf %dot_general3A_51, %add3A_55 : vector<2048x256xf32>
    %get3A_57 = arith.constant 0 : index
    %get3A_58 = arith.constant 0 : index
    %get3A_59 = vector.load %arg13[%get3A_57, %get3A_58] : memref<2048x256xf32, #tpu.memory_space<vmem>>, vector<2048x256xf32>
    %mul3A = arith.constant 5.000000e-01 : f32
    %mul3A_60 = vector.broadcast %mul3A : f32 to vector<2048x256xf32>
    %mul3A_61 = arith.mulf %mul3A_60, %add3A_56 : vector<2048x256xf32>
    %exp3A = math.exp %mul3A_61 : vector<2048x256xf32>
    %mul3A_62 = arith.mulf %get3A_59, %exp3A : vector<2048x256xf32>
    %add3A_63 = arith.addf %add3A_46, %mul3A_62 : vector<2048x256xf32>
    %swap3A = arith.constant 0 : index
    %swap3A_64 = arith.constant 0 : index
    %swap3A_65 = vector.load %arg15[%swap3A, %swap3A_64] : memref<2048x256xf32, #tpu.memory_space<vmem>>, vector<2048x256xf32>
    tpu.vector_store %arg15[%swap3A, %swap3A_64], %add3A_46 {strides = array<i32>} : memref<2048x256xf32, #tpu.memory_space<vmem>>, vector<2048x256xf32>,
    %integer_pow3A = arith.mulf %add3A_63, %add3A_63 : vector<2048x256xf32>
    %reduce_sum3A = arith.constant dense<0.000000e+00> : vector<2048xf32>
    %reduce_sum3A_66 = vector.multi_reduction <add>, %integer_pow3A, %reduce_sum3A [1] : vector<2048x256xf32> to vector<2048xf32>
    %broadcast_in_dim3A = vector.shape_cast %reduce_sum3A_66 : vector<2048xf32> to vector<2048x1xf32>
    %add3A_67 = arith.addf %add3A_63, %add3A_63 : vector<2048x256xf32>
    %iota3A = tpu.iota {dimensions = array<i32: 1>} : vector<1x1024xi32>
    %convert_element_type3A_68 = arith.sitofp %iota3A : vector<1x1024xi32> to vector<1x1024xf32>
    %broadcast_in_dim3A_69 = arith.constant 0x7F800000 : f32
    %broadcast_in_dim3A_70 = vector.broadcast %broadcast_in_dim3A_69 : f32 to vector<2048x1xf32>
    %broadcast_in_dim3A_71 = arith.constant 0.000000e+00 : f32
    %broadcast_in_dim3A_72 = vector.broadcast %broadcast_in_dim3A_71 : f32 to vector<2048x1xf32>
    %get3A_73 = arith.constant 0 : index
    %get3A_74 = arith.constant 0 : index
    %get3A_75 = vector.load %arg12[%get3A_73, %get3A_74] : memref<8192x256xf32, #tpu.memory_space<vmem>>, vector<1024x256xf32>
    %get3A_76 = arith.constant 0 : index
    %get3A_77 = arith.constant 0 : index
    %get3A_78 = vector.load %arg17[%get3A_76, %get3A_77] : memref<1x8192xf32, #tpu.memory_space<vmem>>, vector<1x1024xf32>
    %dot_general3A_79 = arith.constant dense<0.000000e+00> : vector<2048x1024xf32>
    %dot_general3A_80 = tpu.matmul %add3A_67, %get3A_75, %dot_general3A_79 {dimension_numbers = #tpu.dot_dimension_numbers<[1], [1], [0], [0], [0, 0, 1, 0], [], []>, transpose_lhs_hint = false} : vector<2048x256xf32>, vector<1024x256xf32>, vector<2048x1024xf32> -> vector<2048x1024xf32>
    %add3A_81 = vector.broadcast %broadcast_in_dim3A : vector<2048x1xf32> to vector<2048x1024xf32>
    %add3A_82 = vector.broadcast %get3A_78 : vector<1x1024xf32> to vector<2048x1024xf32>
    %add3A_83 = arith.addf %add3A_81, %add3A_82 : vector<2048x1024xf32>
    %sub3A = arith.subf %add3A_83, %dot_general3A_80 : vector<2048x1024xf32>
    %reduce_min3A = arith.constant dense<0x7F800000> : vector<2048xf32>
    %reduce_min3A_84 = vector.multi_reduction <minimumf>, %sub3A, %reduce_min3A [1] : vector<2048x1024xf32> to vector<2048xf32>
    %broadcast_in_dim3A_85 = vector.shape_cast %reduce_min3A_84 : vector<2048xf32> to vector<2048x1xf32>
    %eq3A_86 = vector.broadcast %broadcast_in_dim3A_85 : vector<2048x1xf32> to vector<2048x1024xf32>
    %eq3A_87 = arith.cmpf oeq, %sub3A, %eq3A_86 : vector<2048x1024xf32>
    %add3A_88 = arith.constant 0.000000e+00 : f32
    %add3A_89 = vector.broadcast %add3A_88 : f32 to vector<1x1024xf32>
    %add3A_90 = arith.addf %convert_element_type3A_68, %add3A_89 : vector<1x1024xf32>
    %jit3A = arith.constant 8.192000e+03 : f32
    %broadcast_in_dim3A_91 = vector.shape_cast %add3A_90 : vector<1x1024xf32> to vector<1x1024xf32>
    %broadcast_in_dim3A_92 = vector.broadcast %broadcast_in_dim3A_91 : vector<1x1024xf32> to vector<2048x1024xf32>
    %broadcast_in_dim3A_93 = vector.broadcast %jit3A : f32 to vector<2048x1024xf32>
    %select_n3A = arith.select %eq3A_87, %broadcast_in_dim3A_92, %broadcast_in_dim3A_93 : vector<2048x1024xi1>, vector<2048x1024xf32>
    %reduce_min3A_94 = arith.constant dense<0x7F800000> : vector<2048xf32>
    %reduce_min3A_95 = vector.multi_reduction <minimumf>, %select_n3A, %reduce_min3A_94 [1] : vector<2048x1024xf32> to vector<2048xf32>
    %broadcast_in_dim3A_96 = vector.shape_cast %reduce_min3A_95 : vector<2048xf32> to vector<2048x1xf32>
    %lt3A = arith.cmpf olt, %broadcast_in_dim3A_85, %broadcast_in_dim3A_70 : vector<2048x1xf32>
    %select_n3A_97 = arith.select %lt3A, %broadcast_in_dim3A_85, %broadcast_in_dim3A_70 : vector<2048x1xi1>, vector<2048x1xf32>
    %select_n3A_98 = arith.select %lt3A, %broadcast_in_dim3A_96, %broadcast_in_dim3A_72 : vector<2048x1xi1>, vector<2048x1xf32>
    %get3A_99 = arith.constant 1024 : index
    %get3A_100 = arith.constant 0 : index
    %get3A_101 = vector.load %arg12[%get3A_99, %get3A_100] : memref<8192x256xf32, #tpu.memory_space<vmem>>, vector<1024x256xf32>
    %get3A_102 = arith.constant 0 : index
    %get3A_103 = arith.constant 1024 : index
    %get3A_104 = vector.load %arg17[%get3A_102, %get3A_103] : memref<1x8192xf32, #tpu.memory_space<vmem>>, vector<1x1024xf32>
    %dot_general3A_105 = arith.constant dense<0.000000e+00> : vector<2048x1024xf32>
    %dot_general3A_106 = tpu.matmul %add3A_67, %get3A_101, %dot_general3A_105 {dimension_numbers = #tpu.dot_dimension_numbers<[1], [1], [0], [0], [0, 0, 1, 0], [], []>, transpose_lhs_hint = false} : vector<2048x256xf32>, vector<1024x256xf32>, vector<2048x1024xf32> -> vector<2048x1024xf32>
    %add3A_107 = vector.broadcast %broadcast_in_dim3A : vector<2048x1xf32> to vector<2048x1024xf32>
    %add3A_108 = vector.broadcast %get3A_104 : vector<1x1024xf32> to vector<2048x1024xf32>
    %add3A_109 = arith.addf %add3A_107, %add3A_108 : vector<2048x1024xf32>
    %sub3A_110 = arith.subf %add3A_109, %dot_general3A_106 : vector<2048x1024xf32>
    %reduce_min3A_111 = arith.constant dense<0x7F800000> : vector<2048xf32>
    %reduce_min3A_112 = vector.multi_reduction <minimumf>, %sub3A_110, %reduce_min3A_111 [1] : vector<2048x1024xf32> to vector<2048xf32>
    %broadcast_in_dim3A_113 = vector.shape_cast %reduce_min3A_112 : vector<2048xf32> to vector<2048x1xf32>
    %eq3A_114 = vector.broadcast %broadcast_in_dim3A_113 : vector<2048x1xf32> to vector<2048x1024xf32>
    %eq3A_115 = arith.cmpf oeq, %sub3A_110, %eq3A_114 : vector<2048x1024xf32>
    %add3A_116 = arith.constant 1.024000e+03 : f32
    %add3A_117 = vector.broadcast %add3A_116 : f32 to vector<1x1024xf32>
    %add3A_118 = arith.addf %convert_element_type3A_68, %add3A_117 : vector<1x1024xf32>
    %jit3A_119 = arith.constant 8.192000e+03 : f32
    %broadcast_in_dim3A_120 = vector.shape_cast %add3A_118 : vector<1x1024xf32> to vector<1x1024xf32>
    %broadcast_in_dim3A_121 = vector.broadcast %broadcast_in_dim3A_120 : vector<1x1024xf32> to vector<2048x1024xf32>
    %broadcast_in_dim3A_122 = vector.broadcast %jit3A_119 : f32 to vector<2048x1024xf32>
    %select_n3A_123 = arith.select %eq3A_115, %broadcast_in_dim3A_121, %broadcast_in_dim3A_122 : vector<2048x1024xi1>, vector<2048x1024xf32>
    %reduce_min3A_124 = arith.constant dense<0x7F800000> : vector<2048xf32>
    %reduce_min3A_125 = vector.multi_reduction <minimumf>, %select_n3A_123, %reduce_min3A_124 [1] : vector<2048x1024xf32> to vector<2048xf32>
    %broadcast_in_dim3A_126 = vector.shape_cast %reduce_min3A_125 : vector<2048xf32> to vector<2048x1xf32>
    %lt3A_127 = arith.cmpf olt, %broadcast_in_dim3A_113, %select_n3A_97 : vector<2048x1xf32>
    %select_n3A_128 = arith.select %lt3A_127, %broadcast_in_dim3A_113, %select_n3A_97 : vector<2048x1xi1>, vector<2048x1xf32>
    %select_n3A_129 = arith.select %lt3A_127, %broadcast_in_dim3A_126, %select_n3A_98 : vector<2048x1xi1>, vector<2048x1xf32>
    %get3A_130 = arith.constant 2048 : index
    %get3A_131 = arith.constant 0 : index
    %get3A_132 = vector.load %arg12[%get3A_130, %get3A_131] : memref<8192x256xf32, #tpu.memory_space<vmem>>, vector<1024x256xf32>
    %get3A_133 = arith.constant 0 : index
    %get3A_134 = arith.constant 2048 : index
    %get3A_135 = vector.load %arg17[%get3A_133, %get3A_134] : memref<1x8192xf32, #tpu.memory_space<vmem>>, vector<1x1024xf32>
    %dot_general3A_136 = arith.constant dense<0.000000e+00> : vector<2048x1024xf32>
    %dot_general3A_137 = tpu.matmul %add3A_67, %get3A_132, %dot_general3A_136 {dimension_numbers = #tpu.dot_dimension_numbers<[1], [1], [0], [0], [0, 0, 1, 0], [], []>, transpose_lhs_hint = false} : vector<2048x256xf32>, vector<1024x256xf32>, vector<2048x1024xf32> -> vector<2048x1024xf32>
    %add3A_138 = vector.broadcast %broadcast_in_dim3A : vector<2048x1xf32> to vector<2048x1024xf32>
    %add3A_139 = vector.broadcast %get3A_135 : vector<1x1024xf32> to vector<2048x1024xf32>
    %add3A_140 = arith.addf %add3A_138, %add3A_139 : vector<2048x1024xf32>
    %sub3A_141 = arith.subf %add3A_140, %dot_general3A_137 : vector<2048x1024xf32>
    %reduce_min3A_142 = arith.constant dense<0x7F800000> : vector<2048xf32>
    %reduce_min3A_143 = vector.multi_reduction <minimumf>, %sub3A_141, %reduce_min3A_142 [1] : vector<2048x1024xf32> to vector<2048xf32>
    %broadcast_in_dim3A_144 = vector.shape_cast %reduce_min3A_143 : vector<2048xf32> to vector<2048x1xf32>
    %eq3A_145 = vector.broadcast %broadcast_in_dim3A_144 : vector<2048x1xf32> to vector<2048x1024xf32>
    %eq3A_146 = arith.cmpf oeq, %sub3A_141, %eq3A_145 : vector<2048x1024xf32>
    %add3A_147 = arith.constant 2.048000e+03 : f32
    %add3A_148 = vector.broadcast %add3A_147 : f32 to vector<1x1024xf32>
    %add3A_149 = arith.addf %convert_element_type3A_68, %add3A_148 : vector<1x1024xf32>
    %jit3A_150 = arith.constant 8.192000e+03 : f32
    %broadcast_in_dim3A_151 = vector.shape_cast %add3A_149 : vector<1x1024xf32> to vector<1x1024xf32>
    %broadcast_in_dim3A_152 = vector.broadcast %broadcast_in_dim3A_151 : vector<1x1024xf32> to vector<2048x1024xf32>
    %broadcast_in_dim3A_153 = vector.broadcast %jit3A_150 : f32 to vector<2048x1024xf32>
    %select_n3A_154 = arith.select %eq3A_146, %broadcast_in_dim3A_152, %broadcast_in_dim3A_153 : vector<2048x1024xi1>, vector<2048x1024xf32>
    %reduce_min3A_155 = arith.constant dense<0x7F800000> : vector<2048xf32>
    %reduce_min3A_156 = vector.multi_reduction <minimumf>, %select_n3A_154, %reduce_min3A_155 [1] : vector<2048x1024xf32> to vector<2048xf32>
    %broadcast_in_dim3A_157 = vector.shape_cast %reduce_min3A_156 : vector<2048xf32> to vector<2048x1xf32>
    %lt3A_158 = arith.cmpf olt, %broadcast_in_dim3A_144, %select_n3A_128 : vector<2048x1xf32>
    %select_n3A_159 = arith.select %lt3A_158, %broadcast_in_dim3A_144, %select_n3A_128 : vector<2048x1xi1>, vector<2048x1xf32>
    %select_n3A_160 = arith.select %lt3A_158, %broadcast_in_dim3A_157, %select_n3A_129 : vector<2048x1xi1>, vector<2048x1xf32>
    %get3A_161 = arith.constant 3072 : index
    %get3A_162 = arith.constant 0 : index
    %get3A_163 = vector.load %arg12[%get3A_161, %get3A_162] : memref<8192x256xf32, #tpu.memory_space<vmem>>, vector<1024x256xf32>
    %get3A_164 = arith.constant 0 : index
    %get3A_165 = arith.constant 3072 : index
    %get3A_166 = vector.load %arg17[%get3A_164, %get3A_165] : memref<1x8192xf32, #tpu.memory_space<vmem>>, vector<1x1024xf32>
    %dot_general3A_167 = arith.constant dense<0.000000e+00> : vector<2048x1024xf32>
    %dot_general3A_168 = tpu.matmul %add3A_67, %get3A_163, %dot_general3A_167 {dimension_numbers = #tpu.dot_dimension_numbers<[1], [1], [0], [0], [0, 0, 1, 0], [], []>, transpose_lhs_hint = false} : vector<2048x256xf32>, vector<1024x256xf32>, vector<2048x1024xf32> -> vector<2048x1024xf32>
    %add3A_169 = vector.broadcast %broadcast_in_dim3A : vector<2048x1xf32> to vector<2048x1024xf32>
    %add3A_170 = vector.broadcast %get3A_166 : vector<1x1024xf32> to vector<2048x1024xf32>
    %add3A_171 = arith.addf %add3A_169, %add3A_170 : vector<2048x1024xf32>
    %sub3A_172 = arith.subf %add3A_171, %dot_general3A_168 : vector<2048x1024xf32>
    %reduce_min3A_173 = arith.constant dense<0x7F800000> : vector<2048xf32>
    %reduce_min3A_174 = vector.multi_reduction <minimumf>, %sub3A_172, %reduce_min3A_173 [1] : vector<2048x1024xf32> to vector<2048xf32>
    %broadcast_in_dim3A_175 = vector.shape_cast %reduce_min3A_174 : vector<2048xf32> to vector<2048x1xf32>
    %eq3A_176 = vector.broadcast %broadcast_in_dim3A_175 : vector<2048x1xf32> to vector<2048x1024xf32>
    %eq3A_177 = arith.cmpf oeq, %sub3A_172, %eq3A_176 : vector<2048x1024xf32>
    %add3A_178 = arith.constant 3.072000e+03 : f32
    %add3A_179 = vector.broadcast %add3A_178 : f32 to vector<1x1024xf32>
    %add3A_180 = arith.addf %convert_element_type3A_68, %add3A_179 : vector<1x1024xf32>
    %jit3A_181 = arith.constant 8.192000e+03 : f32
    %broadcast_in_dim3A_182 = vector.shape_cast %add3A_180 : vector<1x1024xf32> to vector<1x1024xf32>
    %broadcast_in_dim3A_183 = vector.broadcast %broadcast_in_dim3A_182 : vector<1x1024xf32> to vector<2048x1024xf32>
    %broadcast_in_dim3A_184 = vector.broadcast %jit3A_181 : f32 to vector<2048x1024xf32>
    %select_n3A_185 = arith.select %eq3A_177, %broadcast_in_dim3A_183, %broadcast_in_dim3A_184 : vector<2048x1024xi1>, vector<2048x1024xf32>
    %reduce_min3A_186 = arith.constant dense<0x7F800000> : vector<2048xf32>
    %reduce_min3A_187 = vector.multi_reduction <minimumf>, %select_n3A_185, %reduce_min3A_186 [1] : vector<2048x1024xf32> to vector<2048xf32>
    %broadcast_in_dim3A_188 = vector.shape_cast %reduce_min3A_187 : vector<2048xf32> to vector<2048x1xf32>
    %lt3A_189 = arith.cmpf olt, %broadcast_in_dim3A_175, %select_n3A_159 : vector<2048x1xf32>
    %select_n3A_190 = arith.select %lt3A_189, %broadcast_in_dim3A_175, %select_n3A_159 : vector<2048x1xi1>, vector<2048x1xf32>
    %select_n3A_191 = arith.select %lt3A_189, %broadcast_in_dim3A_188, %select_n3A_160 : vector<2048x1xi1>, vector<2048x1xf32>
    %get3A_192 = arith.constant 4096 : index
    %get3A_193 = arith.constant 0 : index
    %get3A_194 = vector.load %arg12[%get3A_192, %get3A_193] : memref<8192x256xf32, #tpu.memory_space<vmem>>, vector<1024x256xf32>
    %get3A_195 = arith.constant 0 : index
    %get3A_196 = arith.constant 4096 : index
    %get3A_197 = vector.load %arg17[%get3A_195, %get3A_196] : memref<1x8192xf32, #tpu.memory_space<vmem>>, vector<1x1024xf32>
    %dot_general3A_198 = arith.constant dense<0.000000e+00> : vector<2048x1024xf32>
    %dot_general3A_199 = tpu.matmul %add3A_67, %get3A_194, %dot_general3A_198 {dimension_numbers = #tpu.dot_dimension_numbers<[1], [1], [0], [0], [0, 0, 1, 0], [], []>, transpose_lhs_hint = false} : vector<2048x256xf32>, vector<1024x256xf32>, vector<2048x1024xf32> -> vector<2048x1024xf32>
    %add3A_200 = vector.broadcast %broadcast_in_dim3A : vector<2048x1xf32> to vector<2048x1024xf32>
    %add3A_201 = vector.broadcast %get3A_197 : vector<1x1024xf32> to vector<2048x1024xf32>
    %add3A_202 = arith.addf %add3A_200, %add3A_201 : vector<2048x1024xf32>
    %sub3A_203 = arith.subf %add3A_202, %dot_general3A_199 : vector<2048x1024xf32>
    %reduce_min3A_204 = arith.constant dense<0x7F800000> : vector<2048xf32>
    %reduce_min3A_205 = vector.multi_reduction <minimumf>, %sub3A_203, %reduce_min3A_204 [1] : vector<2048x1024xf32> to vector<2048xf32>
    %broadcast_in_dim3A_206 = vector.shape_cast %reduce_min3A_205 : vector<2048xf32> to vector<2048x1xf32>
    %eq3A_207 = vector.broadcast %broadcast_in_dim3A_206 : vector<2048x1xf32> to vector<2048x1024xf32>
    %eq3A_208 = arith.cmpf oeq, %sub3A_203, %eq3A_207 : vector<2048x1024xf32>
    %add3A_209 = arith.constant 4.096000e+03 : f32
    %add3A_210 = vector.broadcast %add3A_209 : f32 to vector<1x1024xf32>
    %add3A_211 = arith.addf %convert_element_type3A_68, %add3A_210 : vector<1x1024xf32>
    %jit3A_212 = arith.constant 8.192000e+03 : f32
    %broadcast_in_dim3A_213 = vector.shape_cast %add3A_211 : vector<1x1024xf32> to vector<1x1024xf32>
    %broadcast_in_dim3A_214 = vector.broadcast %broadcast_in_dim3A_213 : vector<1x1024xf32> to vector<2048x1024xf32>
    %broadcast_in_dim3A_215 = vector.broadcast %jit3A_212 : f32 to vector<2048x1024xf32>
    %select_n3A_216 = arith.select %eq3A_208, %broadcast_in_dim3A_214, %broadcast_in_dim3A_215 : vector<2048x1024xi1>, vector<2048x1024xf32>
    %reduce_min3A_217 = arith.constant dense<0x7F800000> : vector<2048xf32>
    %reduce_min3A_218 = vector.multi_reduction <minimumf>, %select_n3A_216, %reduce_min3A_217 [1] : vector<2048x1024xf32> to vector<2048xf32>
    %broadcast_in_dim3A_219 = vector.shape_cast %reduce_min3A_218 : vector<2048xf32> to vector<2048x1xf32>
    %lt3A_220 = arith.cmpf olt, %broadcast_in_dim3A_206, %select_n3A_190 : vector<2048x1xf32>
    %select_n3A_221 = arith.select %lt3A_220, %broadcast_in_dim3A_206, %select_n3A_190 : vector<2048x1xi1>, vector<2048x1xf32>
    %select_n3A_222 = arith.select %lt3A_220, %broadcast_in_dim3A_219, %select_n3A_191 : vector<2048x1xi1>, vector<2048x1xf32>
    %get3A_223 = arith.constant 5120 : index
    %get3A_224 = arith.constant 0 : index
    %get3A_225 = vector.load %arg12[%get3A_223, %get3A_224] : memref<8192x256xf32, #tpu.memory_space<vmem>>, vector<1024x256xf32>
    %get3A_226 = arith.constant 0 : index
    %get3A_227 = arith.constant 5120 : index
    %get3A_228 = vector.load %arg17[%get3A_226, %get3A_227] : memref<1x8192xf32, #tpu.memory_space<vmem>>, vector<1x1024xf32>
    %dot_general3A_229 = arith.constant dense<0.000000e+00> : vector<2048x1024xf32>
    %dot_general3A_230 = tpu.matmul %add3A_67, %get3A_225, %dot_general3A_229 {dimension_numbers = #tpu.dot_dimension_numbers<[1], [1], [0], [0], [0, 0, 1, 0], [], []>, transpose_lhs_hint = false} : vector<2048x256xf32>, vector<1024x256xf32>, vector<2048x1024xf32> -> vector<2048x1024xf32>
    %add3A_231 = vector.broadcast %broadcast_in_dim3A : vector<2048x1xf32> to vector<2048x1024xf32>
    %add3A_232 = vector.broadcast %get3A_228 : vector<1x1024xf32> to vector<2048x1024xf32>
    %add3A_233 = arith.addf %add3A_231, %add3A_232 : vector<2048x1024xf32>
    %sub3A_234 = arith.subf %add3A_233, %dot_general3A_230 : vector<2048x1024xf32>
    %reduce_min3A_235 = arith.constant dense<0x7F800000> : vector<2048xf32>
    %reduce_min3A_236 = vector.multi_reduction <minimumf>, %sub3A_234, %reduce_min3A_235 [1] : vector<2048x1024xf32> to vector<2048xf32>
    %broadcast_in_dim3A_237 = vector.shape_cast %reduce_min3A_236 : vector<2048xf32> to vector<2048x1xf32>
    %eq3A_238 = vector.broadcast %broadcast_in_dim3A_237 : vector<2048x1xf32> to vector<2048x1024xf32>
    %eq3A_239 = arith.cmpf oeq, %sub3A_234, %eq3A_238 : vector<2048x1024xf32>
    %add3A_240 = arith.constant 5.120000e+03 : f32
    %add3A_241 = vector.broadcast %add3A_240 : f32 to vector<1x1024xf32>
    %add3A_242 = arith.addf %convert_element_type3A_68, %add3A_241 : vector<1x1024xf32>
    %jit3A_243 = arith.constant 8.192000e+03 : f32
    %broadcast_in_dim3A_244 = vector.shape_cast %add3A_242 : vector<1x1024xf32> to vector<1x1024xf32>
    %broadcast_in_dim3A_245 = vector.broadcast %broadcast_in_dim3A_244 : vector<1x1024xf32> to vector<2048x1024xf32>
    %broadcast_in_dim3A_246 = vector.broadcast %jit3A_243 : f32 to vector<2048x1024xf32>
    %select_n3A_247 = arith.select %eq3A_239, %broadcast_in_dim3A_245, %broadcast_in_dim3A_246 : vector<2048x1024xi1>, vector<2048x1024xf32>
    %reduce_min3A_248 = arith.constant dense<0x7F800000> : vector<2048xf32>
    %reduce_min3A_249 = vector.multi_reduction <minimumf>, %select_n3A_247, %reduce_min3A_248 [1] : vector<2048x1024xf32> to vector<2048xf32>
    %broadcast_in_dim3A_250 = vector.shape_cast %reduce_min3A_249 : vector<2048xf32> to vector<2048x1xf32>
    %lt3A_251 = arith.cmpf olt, %broadcast_in_dim3A_237, %select_n3A_221 : vector<2048x1xf32>
    %select_n3A_252 = arith.select %lt3A_251, %broadcast_in_dim3A_237, %select_n3A_221 : vector<2048x1xi1>, vector<2048x1xf32>
    %select_n3A_253 = arith.select %lt3A_251, %broadcast_in_dim3A_250, %select_n3A_222 : vector<2048x1xi1>, vector<2048x1xf32>
    %get3A_254 = arith.constant 6144 : index
    %get3A_255 = arith.constant 0 : index
    %get3A_256 = vector.load %arg12[%get3A_254, %get3A_255] : memref<8192x256xf32, #tpu.memory_space<vmem>>, vector<1024x256xf32>
    %get3A_257 = arith.constant 0 : index
    %get3A_258 = arith.constant 6144 : index
    %get3A_259 = vector.load %arg17[%get3A_257, %get3A_258] : memref<1x8192xf32, #tpu.memory_space<vmem>>, vector<1x1024xf32>
    %dot_general3A_260 = arith.constant dense<0.000000e+00> : vector<2048x1024xf32>
    %dot_general3A_261 = tpu.matmul %add3A_67, %get3A_256, %dot_general3A_260 {dimension_numbers = #tpu.dot_dimension_numbers<[1], [1], [0], [0], [0, 0, 1, 0], [], []>, transpose_lhs_hint = false} : vector<2048x256xf32>, vector<1024x256xf32>, vector<2048x1024xf32> -> vector<2048x1024xf32>
    %add3A_262 = vector.broadcast %broadcast_in_dim3A : vector<2048x1xf32> to vector<2048x1024xf32>
    %add3A_263 = vector.broadcast %get3A_259 : vector<1x1024xf32> to vector<2048x1024xf32>
    %add3A_264 = arith.addf %add3A_262, %add3A_263 : vector<2048x1024xf32>
    %sub3A_265 = arith.subf %add3A_264, %dot_general3A_261 : vector<2048x1024xf32>
    %reduce_min3A_266 = arith.constant dense<0x7F800000> : vector<2048xf32>
    %reduce_min3A_267 = vector.multi_reduction <minimumf>, %sub3A_265, %reduce_min3A_266 [1] : vector<2048x1024xf32> to vector<2048xf32>
    %broadcast_in_dim3A_268 = vector.shape_cast %reduce_min3A_267 : vector<2048xf32> to vector<2048x1xf32>
    %eq3A_269 = vector.broadcast %broadcast_in_dim3A_268 : vector<2048x1xf32> to vector<2048x1024xf32>
    %eq3A_270 = arith.cmpf oeq, %sub3A_265, %eq3A_269 : vector<2048x1024xf32>
    %add3A_271 = arith.constant 6.144000e+03 : f32
    %add3A_272 = vector.broadcast %add3A_271 : f32 to vector<1x1024xf32>
    %add3A_273 = arith.addf %convert_element_type3A_68, %add3A_272 : vector<1x1024xf32>
    %jit3A_274 = arith.constant 8.192000e+03 : f32
    %broadcast_in_dim3A_275 = vector.shape_cast %add3A_273 : vector<1x1024xf32> to vector<1x1024xf32>
    %broadcast_in_dim3A_276 = vector.broadcast %broadcast_in_dim3A_275 : vector<1x1024xf32> to vector<2048x1024xf32>
    %broadcast_in_dim3A_277 = vector.broadcast %jit3A_274 : f32 to vector<2048x1024xf32>
    %select_n3A_278 = arith.select %eq3A_270, %broadcast_in_dim3A_276, %broadcast_in_dim3A_277 : vector<2048x1024xi1>, vector<2048x1024xf32>
    %reduce_min3A_279 = arith.constant dense<0x7F800000> : vector<2048xf32>
    %reduce_min3A_280 = vector.multi_reduction <minimumf>, %select_n3A_278, %reduce_min3A_279 [1] : vector<2048x1024xf32> to vector<2048xf32>
    %broadcast_in_dim3A_281 = vector.shape_cast %reduce_min3A_280 : vector<2048xf32> to vector<2048x1xf32>
    %lt3A_282 = arith.cmpf olt, %broadcast_in_dim3A_268, %select_n3A_252 : vector<2048x1xf32>
    %select_n3A_283 = arith.select %lt3A_282, %broadcast_in_dim3A_268, %select_n3A_252 : vector<2048x1xi1>, vector<2048x1xf32>
    %select_n3A_284 = arith.select %lt3A_282, %broadcast_in_dim3A_281, %select_n3A_253 : vector<2048x1xi1>, vector<2048x1xf32>
    %get3A_285 = arith.constant 7168 : index
    %get3A_286 = arith.constant 0 : index
    %get3A_287 = vector.load %arg12[%get3A_285, %get3A_286] : memref<8192x256xf32, #tpu.memory_space<vmem>>, vector<1024x256xf32>
    %get3A_288 = arith.constant 0 : index
    %get3A_289 = arith.constant 7168 : index
    %get3A_290 = vector.load %arg17[%get3A_288, %get3A_289] : memref<1x8192xf32, #tpu.memory_space<vmem>>, vector<1x1024xf32>
    %dot_general3A_291 = arith.constant dense<0.000000e+00> : vector<2048x1024xf32>
    %dot_general3A_292 = tpu.matmul %add3A_67, %get3A_287, %dot_general3A_291 {dimension_numbers = #tpu.dot_dimension_numbers<[1], [1], [0], [0], [0, 0, 1, 0], [], []>, transpose_lhs_hint = false} : vector<2048x256xf32>, vector<1024x256xf32>, vector<2048x1024xf32> -> vector<2048x1024xf32>
    %add3A_293 = vector.broadcast %broadcast_in_dim3A : vector<2048x1xf32> to vector<2048x1024xf32>
    %add3A_294 = vector.broadcast %get3A_290 : vector<1x1024xf32> to vector<2048x1024xf32>
    %add3A_295 = arith.addf %add3A_293, %add3A_294 : vector<2048x1024xf32>
    %sub3A_296 = arith.subf %add3A_295, %dot_general3A_292 : vector<2048x1024xf32>
    %reduce_min3A_297 = arith.constant dense<0x7F800000> : vector<2048xf32>
    %reduce_min3A_298 = vector.multi_reduction <minimumf>, %sub3A_296, %reduce_min3A_297 [1] : vector<2048x1024xf32> to vector<2048xf32>
    %broadcast_in_dim3A_299 = vector.shape_cast %reduce_min3A_298 : vector<2048xf32> to vector<2048x1xf32>
    %eq3A_300 = vector.broadcast %broadcast_in_dim3A_299 : vector<2048x1xf32> to vector<2048x1024xf32>
    %eq3A_301 = arith.cmpf oeq, %sub3A_296, %eq3A_300 : vector<2048x1024xf32>
    %add3A_302 = arith.constant 7.168000e+03 : f32
    %add3A_303 = vector.broadcast %add3A_302 : f32 to vector<1x1024xf32>
    %add3A_304 = arith.addf %convert_element_type3A_68, %add3A_303 : vector<1x1024xf32>
    %jit3A_305 = arith.constant 8.192000e+03 : f32
    %broadcast_in_dim3A_306 = vector.shape_cast %add3A_304 : vector<1x1024xf32> to vector<1x1024xf32>
    %broadcast_in_dim3A_307 = vector.broadcast %broadcast_in_dim3A_306 : vector<1x1024xf32> to vector<2048x1024xf32>
    %broadcast_in_dim3A_308 = vector.broadcast %jit3A_305 : f32 to vector<2048x1024xf32>
    %select_n3A_309 = arith.select %eq3A_301, %broadcast_in_dim3A_307, %broadcast_in_dim3A_308 : vector<2048x1024xi1>, vector<2048x1024xf32>
    %reduce_min3A_310 = arith.constant dense<0x7F800000> : vector<2048xf32>
    %reduce_min3A_311 = vector.multi_reduction <minimumf>, %select_n3A_309, %reduce_min3A_310 [1] : vector<2048x1024xf32> to vector<2048xf32>
    %broadcast_in_dim3A_312 = vector.shape_cast %reduce_min3A_311 : vector<2048xf32> to vector<2048x1xf32>
    %lt3A_313 = arith.cmpf olt, %broadcast_in_dim3A_299, %select_n3A_283 : vector<2048x1xf32>
    %select_n3A_314 = arith.select %lt3A_313, %broadcast_in_dim3A_312, %select_n3A_284 : vector<2048x1xi1>, vector<2048x1xf32>
    %convert_element_type3A_315 = arith.fptosi %select_n3A_314 : vector<2048x1xf32> to vector<2048x1xi32>
    %swap3A_316 = arith.constant 0 : index
    %swap3A_317 = arith.constant 0 : index
    %swap3A_318 = vector.load %arg14[%swap3A_316, %swap3A_317] : memref<2048x1xi32, #tpu.memory_space<vmem>>, vector<2048x1xi32>
    tpu.vector_store %arg14[%swap3A_316, %swap3A_317], %convert_element_type3A_315 {strides = array<i32>} : memref<2048x1xi32, #tpu.memory_space<vmem>>, vector<2048x1xi32>,
    %get3A_319 = arith.constant 0 : index
    %get3A_320 = arith.constant 0 : index
    %get3A_321 = memref.load %arg16[%get3A_319, %get3A_320] : memref<1x1xf32, #tpu.memory_space<smem>>
    %add3A_322 = arith.constant 1.000000e+00 : f32
    %add3A_323 = vector.broadcast %add3A_322 : f32 to vector<2048x256xf32>
    %add3A_324 = arith.addf %add3A_323, %add3A_56 : vector<2048x256xf32>
    %integer_pow3A_325 = arith.mulf %add3A_46, %add3A_46 : vector<2048x256xf32>
    %sub3A_326 = arith.subf %add3A_324, %integer_pow3A_325 : vector<2048x256xf32>
    %exp3A_327 = math.exp %add3A_56 : vector<2048x256xf32>
    %sub3A_328 = arith.subf %sub3A_326, %exp3A_327 : vector<2048x256xf32>
    %reduce_sum3A_329 = vector.shape_cast %sub3A_328 : vector<2048x256xf32> to vector<1x2048x256xf32>
    %reduce_sum3A_330 = arith.constant dense<0.000000e+00> : vector<1xf32>
    %reduce_sum3A_331 = vector.multi_reduction <add>, %reduce_sum3A_329, %reduce_sum3A_330 [1, 2] : vector<1x2048x256xf32> to vector<1xf32>
    %reduce_sum3A_332 = vector.shape_cast %reduce_sum3A_331 : vector<1xf32> to vector<1x1x1xf32>
    %reduce_sum3A_333 = vector.extract %reduce_sum3A_332[0, 0, 0] : f32 from vector<1x1x1xf32>
    %add3A_334 = arith.addf %get3A_321, %reduce_sum3A_333 : f32
    %swap3A_335 = arith.constant 0 : index
    %swap3A_336 = arith.constant 0 : index
    %swap3A_337 = memref.load %arg16[%swap3A_335, %swap3A_336] : memref<1x1xf32, #tpu.memory_space<smem>>
    memref.store %add3A_334, %arg16[%swap3A_335, %swap3A_336] : memref<1x1xf32, #tpu.memory_space<smem>>
    return
  }
  func.func @transform_0(%arg0: i32) -> (i32, i32) {
    %c0_i32 = arith.constant 0 : i32
    %c0_i32_0 = arith.constant 0 : i32
    return %arg0, %c0_i32 : i32, i32
  }
  func.func @transform_1(%arg0: i32) -> (i32, i32) {
    %c0_i32 = arith.constant 0 : i32
    %c0_i32_0 = arith.constant 0 : i32
    %c0_i32_1 = arith.constant 0 : i32
    return %c0_i32, %c0_i32_0 : i32, i32
  }
  func.func @transform_2(%arg0: i32) -> (i32, i32) {
    %c0_i32 = arith.constant 0 : i32
    %c0_i32_0 = arith.constant 0 : i32
    %c0_i32_1 = arith.constant 0 : i32
    return %c0_i32, %c0_i32_0 : i32, i32
  }
  func.func @transform_3(%arg0: i32) -> (i32, i32) {
    %c0_i32 = arith.constant 0 : i32
    %c0_i32_0 = arith.constant 0 : i32
    %c0_i32_1 = arith.constant 0 : i32
    return %c0_i32, %c0_i32_0 : i32, i32
  }
  func.func @transform_4(%arg0: i32) -> (i32, i32) {
    %c0_i32 = arith.constant 0 : i32
    %c0_i32_0 = arith.constant 0 : i32
    %c0_i32_1 = arith.constant 0 : i32
    return %c0_i32, %c0_i32_0 : i32, i32
  }
  func.func @transform_5(%arg0: i32) -> (i32, i32) {
    %c0_i32 = arith.constant 0 : i32
    %c0_i32_0 = arith.constant 0 : i32
    %c0_i32_1 = arith.constant 0 : i32
    return %c0_i32, %c0_i32_0 : i32, i32
  }
  func.func @transform_6(%arg0: i32) -> (i32, i32) {
    %c0_i32 = arith.constant 0 : i32
    %c0_i32_0 = arith.constant 0 : i32
    %c0_i32_1 = arith.constant 0 : i32
    return %c0_i32, %c0_i32_0 : i32, i32
  }
  func.func @transform_7(%arg0: i32) -> (i32, i32) {
    %c0_i32 = arith.constant 0 : i32
    %c0_i32_0 = arith.constant 0 : i32
    %c0_i32_1 = arith.constant 0 : i32
    return %c0_i32, %c0_i32_0 : i32, i32
  }
  func.func @transform_8(%arg0: i32) -> (i32, i32) {
    %c0_i32 = arith.constant 0 : i32
    %c0_i32_0 = arith.constant 0 : i32
    %c0_i32_1 = arith.constant 0 : i32
    return %c0_i32, %c0_i32_0 : i32, i32
  }
  func.func @transform_9(%arg0: i32) -> (i32, i32) {
    %c0_i32 = arith.constant 0 : i32
    %c0_i32_0 = arith.constant 0 : i32
    %c0_i32_1 = arith.constant 0 : i32
    return %c0_i32, %c0_i32_0 : i32, i32
  }
  func.func @transform_10(%arg0: i32) -> (i32, i32) {
    %c0_i32 = arith.constant 0 : i32
    %c0_i32_0 = arith.constant 0 : i32
    %c0_i32_1 = arith.constant 0 : i32
    return %c0_i32, %c0_i32_0 : i32, i32
  }
  func.func @transform_11(%arg0: i32) -> (i32, i32) {
    %c0_i32 = arith.constant 0 : i32
    %c0_i32_0 = arith.constant 0 : i32
    %c0_i32_1 = arith.constant 0 : i32
    return %c0_i32, %c0_i32_0 : i32, i32
  }
  func.func @transform_12(%arg0: i32) -> (i32, i32) {
    %c0_i32 = arith.constant 0 : i32
    %c0_i32_0 = arith.constant 0 : i32
    return %arg0, %c0_i32 : i32, i32
  }
  func.func @transform_13(%arg0: i32) -> (i32, i32) {
    %c0_i32 = arith.constant 0 : i32
    %c0_i32_0 = arith.constant 0 : i32
    return %arg0, %c0_i32 : i32, i32
  }
  func.func @transform_14(%arg0: i32) -> (i32, i32) {
    %c0_i32 = arith.constant 0 : i32
    %c0_i32_0 = arith.constant 0 : i32
    return %arg0, %c0_i32 : i32, i32
  }
  func.func @transform_15(%arg0: i32) -> (i32, i32) {
    %c0_i32 = arith.constant 0 : i32
    %c0_i32_0 = arith.constant 0 : i32
    %c0_i32_1 = arith.constant 0 : i32
    return %c0_i32, %c0_i32_0 : i32, i32
  }
}

</mosaic_0001>

<sc_bundles>
// kernel: kernel.5.cloned.1.call-start
scs
__scs_entry_jumppad:
0x0: {  	(pc) =	sbr.rel $0x88, $3  }
0x1: {  	(tag) =	ssettag $0x0;
	lr =	simm.s32 $0x1  }
0x2: {  	[smem:$0x3F94] =	sst lr;
	_ =	strace $0xD0000000  }
0x3: {  	_ = 	snop  }
0x4: {  	_ = 	snop  }
0x5: {  	_ = 	snop  }
0x6: {  	_ = 	snop  }
0x7: {  	_ = 	snop  }
__scs_overlays_trampoline_lowered:
0x8: {  	[smem:$0x3FA3] =	sst s0  }
0x9: {  	[smem:$0x3FA4] =	sst s1  }
0xa: {  	[smem:$0x3FA5] =	sst s2  }
0xb: {  	[smem:$0x3FA6] =	sst s3  }
0xc: {  	[smem:$0x3FA7] =	sst s4  }
0xd: {  	[smem:$0x3FA8] =	sst s5  }
0xe: {  	[smem:$0x3FA9] =	sst s6  }
0xf: {  	[smem:$0x3FAA] =	sst s7  }
0x10: {  	[smem:$0x3FAB] =	sst s8  }
0x11: {  	[smem:$0x3FAC] =	sst s9;
	s0 =	simm.s32 @!p0 $0x0  }
0x12: {  	s1 =	sld [smem:$0x3F92];
	s0 =	simm.s32 @p0 $0x1  }
0x13: {  	[smem:$0x3FAD] =	sst s0;
	s0 =	simm.s32 @!p1 $0x0  }
0x14: {  	s2 =	sld [smem:$0x3F91];
	s0 =	simm.s32 @p1 $0x1  }
0x15: {  	[smem:$0x3FAE] =	sst s0;
	s0 =	simm.s32 @!p2 $0x0  }
0x16: {  	s3 =	sld [smem:$0x3FDB];
	s0 =	simm.s32 @p2 $0x1  }
0x17: {  	s4 =	simm.s32 $0x1BF5;
	[smem:$0x3FB0] =	sst s0  }
0x18: {  	s0 =	sld [smem:$0x3F93];
	_ =	swait.ge [sflag:s4], $0x0  }
0x19: {  	s7 =	sld [smem:$0x3F94]  }
0x1a: {  	s8 =	sadd.s32 $0xFFFFE003, lr  }
0x1b: {  	s9 =	sadd.s32 $0xFFFFFEF7, lr;
	s5 =	simm.s32 $0xFFFFFFFF;
	p2 =	slt.u32 s8, $0xFFFFF086  }
0x1c: {  	p1 =	slt.u32 s9, $0xF7A;
	s5 =	simm.s32 @!p2 $0x0  }
0x1d: {  	s5 =	simm.s32 @p1 $0x1;
	p0 =	seq.s32 s7, s2  }
0x1e: {  	s7 =	smul.u32 @!p0 $0xF7A, s2;
	p2 =	seq.s32 @!p0 s5, $0x0  }
0x1f: {  	s9 =	smul.u32 $0xF7A, s1;
	s8 =	simm.s32 @!p0 $0x1BF5;
	p2 =	por !p2, p0  }
0x20: {  	[sflag:s8] =	ssyncset.s32 @!p0 $0xFFFFF086;
	s6 =	sadd.s32 @!p0 s3, s7;
	s7 =	simm.s32 @!p0 $0x108  }
0x21: {  	s3 =	sadd.s32 s3, s9;
	s6 =	sadd.s32 @!p0 $0x88, s6;
	s7 =	simm.s32 @p2 $0x1082  }
0x22: {  	[simem:s7], [sflag:s8] =	dma.local @!p0 [hbm:s6], $0xF7A  }
0x23: {  	s9 =	sor.u32 $0xD0000000, s2;
	s6 =	simm.s32 $0x108;
	_ =	swait.ge @!p0 [sflag:s8], $0x0  }
0x24: {  	s3 =	sadd.s32 $0x88, s3;
	s6 =	simm.s32 @!p1 $0x1082;
	[sflag:s4] =	ssyncset.s32 $0xFFFFF086  }
0x25: {  	[simem:s6], [sflag:s4] =	dma.local [hbm:s3], $0xF7A  }
0x26: {  	[smem:$0x3F94] =	sst s1;
	(tag) =	ssettag s2;
	_ =	strace s9  }
0x27: {  	s1 =	sld [smem:$0x3FA4]  }
0x28: {  	s2 =	sld [smem:$0x3FA5]  }
0x29: {  	s4 =	sld [smem:$0x3FA7]  }
0x2a: {  	p0 =	seq.s32 s5, $0x0;
	s5 =	sld [smem:$0x3FA8]  }
0x2b: {  	s6 =	sld [smem:$0x3FA9]  }
0x2c: {  	s7 =	sld [smem:$0x3FAA]  }
0x2d: {  	s3 =	simm.s32 $0x108;
	s8 =	sld [smem:$0x3FAB]  }
0x2e: {  	s3 =	simm.s32 @!p0 $0x1082;
	s9 =	sld [smem:$0x3FAC]  }
0x2f: {  	lr =	sadd.s32 s0, s3;
	s0 =	sld [smem:$0x3FA3]  }
0x30: {  	s3 =	sld [smem:$0x3FA6]  }
0x31: {  	[smem:$0x3FAF] =	sst s10  }
0x32: {  	s10 =	sld [smem:$0x3FAD];
	_ =	sdelay $0x3  }
0x33: {  	p0 =	seq.s32 s10, $0x1;
	s10 =	sld [smem:$0x3FAF];
	_ =	sdelay $0x3  }
0x34: {  	[smem:$0x3FAF] =	sst s10  }
0x35: {  	s10 =	sld [smem:$0x3FAE];
	_ =	sdelay $0x3  }
0x36: {  	p1 =	seq.s32 s10, $0x1;
	s10 =	sld [smem:$0x3FAF];
	_ =	sdelay $0x3  }
0x37: {  	[smem:$0x3FAF] =	sst s10  }
0x38: {  	s10 =	sld [smem:$0x3FB0]  }
0x39: {  	_ = 	snop;
	(pc) =	sbr.ind lr, $3  }
0x3a: {  	_ = 	snop  }
0x3b: {  	_ = 	snop  }
0x3c: {  	p2 =	seq.s32 s10, $0x1;
	s10 =	sld [smem:$0x3FAF]  }
0x3d: {  	_ =	shalt  }
0x3e: {  	_ =	shalt  }
0x3f: {  	_ =	shalt  }
0x40: {  	_ =	shalt  }
0x41: {  	_ =	shalt  }
0x42: {  	_ =	shalt  }
0x43: {  	_ =	shalt  }
0x44: {  	_ =	shalt  }
0x45: {  	_ =	shalt  }
0x46: {  	_ =	shalt  }
0x47: {  	_ =	shalt  }
0x48: {  	_ =	shalt  }
0x49: {  	_ =	shalt  }
0x4a: {  	_ =	shalt  }
0x4b: {  	_ =	shalt  }
0x4c: {  	_ =	shalt  }
0x4d: {  	_ =	shalt  }
0x4e: {  	_ =	shalt  }
0x4f: {  	_ =	shalt  }
0x50: {  	_ =	shalt  }
0x51: {  	_ =	shalt  }
0x52: {  	_ =	shalt  }
0x53: {  	_ =	shalt  }
0x54: {  	_ =	shalt  }
0x55: {  	_ =	shalt  }
0x56: {  	_ =	shalt  }
0x57: {  	_ =	shalt  }
0x58: {  	_ =	shalt  }
0x59: {  	_ =	shalt  }
0x5a: {  	_ =	shalt  }
0x5b: {  	_ =	shalt  }
0x5c: {  	_ =	shalt  }
0x5d: {  	_ =	shalt  }
0x5e: {  	_ =	shalt  }
0x5f: {  	_ =	shalt  }
0x60: {  	_ =	shalt  }
0x61: {  	_ =	shalt  }
0x62: {  	_ =	shalt  }
0x63: {  	_ =	shalt  }
0x64: {  	_ =	shalt  }
0x65: {  	_ =	shalt  }
0x66: {  	_ =	shalt  }
0x67: {  	_ =	shalt  }
0x68: {  	_ =	shalt  }
0x69: {  	_ =	shalt  }
0x6a: {  	_ =	shalt  }
0x6b: {  	_ =	shalt  }
0x6c: {  	_ =	shalt  }
0x6d: {  	_ =	shalt  }
0x6e: {  	_ =	shalt  }
0x6f: {  	_ =	shalt  }
0x70: {  	_ =	shalt  }
0x71: {  	_ =	shalt  }
0x72: {  	_ =	shalt  }
0x73: {  	_ =	shalt  }
0x74: {  	_ =	shalt  }
0x75: {  	_ =	shalt  }
0x76: {  	_ =	shalt  }
0x77: {  	_ =	shalt  }
0x78: {  	_ =	shalt  }
0x79: {  	_ =	shalt  }
0x7a: {  	_ =	shalt  }
0x7b: {  	_ =	shalt  }
0x7c: {  	_ =	shalt  }
0x7d: {  	_ =	shalt  }
0x7e: {  	_ =	shalt  }
0x7f: {  	_ =	shalt  }
0x80: {  	_ =	shalt  }
0x81: {  	_ =	shalt  }
0x82: {  	_ =	shalt  }
0x83: {  	_ =	shalt  }
0x84: {  	_ =	shalt  }
0x85: {  	_ =	shalt  }
0x86: {  	_ =	shalt  }
0x87: {  	_ =	shalt  }
.Lfunc_end0:
.L_simem_size_0:
called_computation_lowered:
.L_overlay_start_0:
0x88: {  	s2 =	sld [smem:$0x3FD9]  }
0x89: {  	s3 =	sld [smem:$0x3FFE];
	_ =	sdelay $0x1  }
0x8a: {  	s1 =	srdreg.scid  }
0x8b: {  	s0 =	sand.u32 $0x1, s1  }
0x8c: {  	s14 =	sshll.u32 s0, $0xA;
	s2 =	sadd.s32 s3, s2  }
0x8d: {  	s2 =	sadd.s32 s2, s14  }
0x8e: {  	[smem:$0x3FBB] =	sst s2  }
0x8f: {  	_ = 	snop  }
0x90: {  	s2 =	sld [smem:$0x3FD0];
	_ =	sdelay $0x2  }
0x91: {  	s4 =	simm.s32 $0xA;
	s5 =	simm.s32 $0x10;
	s15 =	sld [smem:$0x3FBE]  }
0x92: {  	[smem:s5], [sflag:s4] =	dma.local [hbm:s2], $0x1  }
0x93: {  	_ =	swait.eq [sflag:s4], $0x1  }
0x94: {  	[sflag:s4] =	ssyncset.done $0x0  }
0x95: {  	[sflag:s4] =	ssyncadd.s32 $0xFFFFFFFF  }
0x96: {  	s16 =	sld [smem:$0x10];
	(tm) =	ssettm $0x1  }
0x97: {  	s17 =	sld [smem:$0x3FFB];
	_ =	sdelay $0x3  }
0x98: {  	_ =	strace s17  }
0x99: {  	s4 =	sld [smem:$0x3FFC];
	_ =	sdelay $0x3  }
0x9a: {  	_ =	strace s4  }
0x9b: {  	s4 =	sld [smem:$0x3FFD];
	_ =	sdelay $0x3  }
0x9c: {  	_ =	strace s4  }
0x9d: {  	_ =	strace $0x8FFFFFFF  }
0x9e: {  	s18 =	sld [smem:$0x3FDB];
	_ =	sdelay $0x1  }
0x9f: {  	s19 =	simm.s32 $_scs_section_size  }
0xa0: {  	s6 =	simm.s32 $_size__tile_overlayer_lowered;
	s7 =	simm.s32 $_tile_overlayer_lowered  }
0xa1: {  	s22 =	simm.s32 $0x1BFF;
	s21 =	sshll.u32 s7, $0x1;
	s4 =	sadd.s32 s19, s18  }
0xa2: {  	s8 =	simm.s32 $0x0;
	s20 =	sshll.u32 s6, $0x1;
	s6 =	sadd.s32 s21, s4  }
0xa3: {  	[timem:s8], [sflag:s22] =	dma.local [hbm:s6], s20  }
0xa4: {  	_ =	swait.ge [sflag:s22], s20  }
0xa5: {  	s5 =	ssub.s32 $0x0, s20;
	[sflag:s22] =	ssyncset.done $0x0  }
0xa6: {  	[sflag:s22] =	ssyncadd.s32 s5;
	_ =	sdelay $0x1  }
0xa7: {  	s23 =	simm.s32 $0x1B8B  }
0xa8: {  	_ =	swait.ge [sflag:s23], $0x1  }
0xa9: {  	[sflag:s23] =	ssyncset.done $0x0  }
0xaa: {  	s25 =	simm.s32 $0x1B8E;
	s24 =	sld [smem:$0x3FFE];
	[sflag:s23] =	ssyncadd.s32 $0xFFFFFFFF  }
0xab: {  	s26 =	simm.s32 $execute0_lowered;
	[smem:$0x3FD2] =	sst s25  }
0xac: {  	s6 =	sshll.u32 s26, $0x1;
	_ =	strace $0x80000046;
	[dreg:$0x1] =	wrdreg $0xFFFFFFFF  }
0xad: {  	s28 =	simm.s32 $_size_execute0_lowered;
	s4 =	sadd.s32 s4, s6;
	[dreg:$0x0] =	wrdreg $0x0  }
0xae: {  	s6 =	sshll.u32 s28, $0x1;
	[dreg:$0x2] =	wrdreg s4  }
0xaf: {  	[dreg:$0x3] =	wrdreg s6  }
0xb0: {  	[dreg:$0x4] =	wrdreg $0xC0  }
0xb1: {  	_ =	task [dreg:s8], $0x5FFFF  }
0xb2: {  	[dreg:$0x1] =	wrdreg $0xFFFFFFFF  }
0xb3: {  	[dreg:$0x0] =	wrdreg $0x60  }
0xb4: {  	[dreg:$0x2] =	wrdreg s15  }
0xb5: {  	[dreg:$0x3] =	wrdreg s24  }
0xb6: {  	[dreg:$0x4] =	wrdreg s16  }
0xb7: {  	[dreg:$0x5] =	wrdreg $0x9  }
0xb8: {  	_ =	task.clear_ibuf [dreg:s8], $0x6FFFF;
	_ =	strace $0x90000046  }
0xb9: {  	s29 =	simm.s32 $0x9;
	_ =	strace $0x80000048  }
0xba: {  	_ =	swait.ge [sflag:s29], $0x1  }
0xbb: {  	[sflag:s29] =	ssyncadd.s32 $0xFFFFFFFF  }
0xbc: {  	_ =	strace $0x90000048  }
0xbd: {  	_ =	sfence  }
0xbe: {  	s30 =	sld [smem:$0x0];
	_ =	sdelay $0x2  }
0xbf: {  	s31 =	sshll.u32 s1, $0xD;
	s1 =	sshrl.u32 s1, $0x2  }
0xc0: {  	s3 =	sand.u32 $0x4000, s31;
	s1 =	sadd.s32 s1, s30  }
0xc1: {  	s0 =	sor.u32 s3, s0;
	s1 =	sshll.u32 s1, $0x11  }
0xc2: {  	s0 =	sor.u32 s1, s0  }
0xc3: {  	s0 =	sadd.s32 $0x8F2B, s0  }
0xc4: {  	[sflag:s0] =	ssyncadd.remote.s32 $0x1  }
0xc5: {  	_ =	sfence.sel $0xFFFF  }
0xc6: {  	[dreg:$0x0] =	wrdreg $0xFFFFFFFF;
	(pc) =	sbr.abs _section_cstart, $3  }
0xc7: {  	[dreg:$0x1] =	wrdreg $0xFFFFFFFF  }
0xc8: {  	_ =	task.clear_ibuf [dreg:s8], $0x2FFFF;
	_ =	strace $0x9FFFFFFF  }
0xc9: {  	(tm) =	ssettm $0x7FFFFFFF  }
tec
execute0_lowered:
.L_overlay_start_1:
0x0: {  	(tag) =	ssettag $0x1  }
0x1: {  	s1 =	rddreg [dreg:$0x0]  }
0x2: {  	s2 =	srdreg.scid;
	s4 =	rddreg [dreg:$0x1]  }
0x3: {  	s0 =	stileid.u32;
	s6 =	rddreg [dreg:$0x2];
	s19 =	simm.s32 $0x900  }
0x4: {  	s20 =	simm.s32 $0x1100;
	s21 =	simm.s32 $0x1900;
	s23 =	simm.s32 $0x2100  }
0x5: {  	s24 =	simm.s32 $0x2900;
	s25 =	simm.s32 $0x3100;
	s26 =	simm.s32 $0x3900  }
0x6: {  	s8 =	simm.s32 $0x4900;
	s9 =	simm.s32 $0x5100;
	s10 =	simm.s32 $0x5900  }
0x7: {  	s11 =	simm.s32 $0x6100;
	s12 =	simm.s32 $0x6900;
	s13 =	simm.s32 $0x7100  }
0x8: {  	s14 =	simm.s32 $0x7900;
	s15 =	simm.s32 $0x8100;
	s2 =	sand.u32 $0x1, s2  }
0x9: {  	s16 =	simm.s32 $0x8900;
	s3 =	sshll.u32 s0, $0x9;
	s5 =	sshll.u32 s2, $0x8  }
0xa: {  	s17 =	simm.s32 $0x9100;
	s5 =	sor.u32 s5, s3;
	s3 =	simm.s32 $0x0  }
0xb: {  	s28 =	simm.s32 $0xE100;
	s29 =	simm.s32 $0xE900;
	[smem:$0x7FF] =	sst s3  }
0xc: {  	s30 =	simm.s32 $0xF100;
	_ =	strace $0x80000047;
	[dreg:$0x6] =	wrdreg s19  }
0xd: {  	s31 =	simm.s32 $0xF900;
	s2 =	ssub.s32 $0x2, s2;
	[dreg:$0x7] =	wrdreg s20  }
0xe: {  	s22 =	sshrl.u32 s2, $0x1;
	s7 =	sshrl.u32 s5, $0x3;
	[dreg:$0x8] =	wrdreg s21  }
0xf: {  	s5 =	sshll.u32 s5, $0x5;
	s2 =	ssub.s32 s2, s22;
	[dreg:$0x9] =	wrdreg s23  }
0x10: {  	s22 =	simm.s32 $0xB900;
	s4 =	sadd.s32 s7, s4;
	[dreg:$0xa] =	wrdreg s24  }
0x11: {  	s18 =	sadd.s32 s6, s5;
	s5 =	simm.s32 $0x2;
	[dreg:$0xb] =	wrdreg s25  }
0x12: {  	s6 =	simm.s32 $0x100;
	[dreg:$0xc] =	wrdreg s26;
	s19 =	simm.s32 $0xA100  }
0x13: {  	s20 =	simm.s32 $0xA900;
	s21 =	simm.s32 $0xB100;
	s23 =	simm.s32 $0xC100  }
0x14: {  	v2 =	vlaneseq.u32;
	s24 =	simm.s32 $0xC900;
	s25 =	simm.s32 $0xD100;
	s26 =	simm.s32 $0xD900  }
0x15: {  	vm0 =	vmmov $0xffff;
	v1 =	vshrl.u32 v2, $0x3;
	s4 =	sadd.s32 $0x1C00, s4;
	[dreg:$0x5] =	wrdreg s18;
	s18 =	simm.s32 $0x9900  }
0x16: {  	v0 =	vand.u32 $0x7, v2;
	v2 =	vor.u32 $0x8, v2;
	v1 =	vmul.u32 $0x8, v1;
	[dreg:$0x4] =	wrdreg s4;
	s4 =	smax.u32 s2, $0x1;
	s2 =	simm.s32 $0x1  }
.LBB2_1:
0x17: {  	s0 =	rddreg [dreg:$0x4]  }
0x18: {  	[tilespmem:s3], [sflag:$0x2] =	stream.linear.gather [hbm4b:s0+s3], $0x100, $0x38;
	[tilespmem:$0x10100] =	vst v63  }
0x19: {  	_ =	swait.ge [sflag:s5], $0x100  }
0x1a: {  	[sflag:s5] =	ssyncset.done $0x0  }
0x1b: {  	[sflag:s5] =	ssyncadd.s32 $0xFFFFFF00  }
0x1c: {  	v3 =	vld [tilespmem:$0x0];
	_ =	sdelay $0x4  }
0x1d: {  	v4 =	vshll.u32 v3, $0x1  }
0x1e: {  	v3 =	vand.u32 $0x7, v3;
	v4 =	vand.u32 $0xFFFFFFF0, v4  }
0x1f: {  	v3 =	vor.u32 v3, v4  }
0x20: {  	v4 =	vperm.xlane v3, v0;
	_ =	sdelay $0x1  }
0x21: {  	v3 =	vperm.xlane v3, v2;
	v4 =	vadd.s32 v1, v4;
	_ =	sdelay $0x1  }
0x22: {  	v3 =	vadd.s32 v1, v3;
	_ =	sdelay $0x2  }
0x23: {  	[tilespmem:s6], [sflag:$0x1] =	stream.indirect_vreg.gather [hbm4b:s1+s3], $0x80, v4, vm0, $0xb8;
	[tilespmem:$0x10100] =	vst v63  }
0x24: {  	s7 =	rddreg [dreg:$0x6]  }
0x25: {  	[tilespmem:s7], [sflag:$0x1] =	stream.indirect_vreg.gather [hbm4b:s1+s3], $0x80, v3, vm0, $0xb8;
	[tilespmem:$0x10100] =	vst v63  }
0x26: {  	v3 =	vld [tilespmem:$0x10];
	_ =	sdelay $0x4  }
0x27: {  	v49 =	vshll.u32 v3, $0x1  }
0x28: {  	v3 =	vand.u32 $0x7, v3;
	v4 =	vand.u32 $0xFFFFFFF0, v49  }
0x29: {  	v3 =	vor.u32 v3, v4  }
0x2a: {  	v4 =	vperm.xlane v3, v0;
	_ =	sdelay $0x1  }
0x2b: {  	v3 =	vperm.xlane v3, v2;
	v4 =	vadd.s32 v1, v4;
	_ =	sdelay $0x1  }
0x2c: {  	v3 =	vadd.s32 v1, v3;
	_ =	sdelay $0x1  }
0x2d: {  	s0 =	rddreg [dreg:$0x7]  }
0x2e: {  	[tilespmem:s0], [sflag:$0x1] =	stream.indirect_vreg.gather [hbm4b:s1+s3], $0x80, v4, vm0, $0xb8;
	[tilespmem:$0x10100] =	vst v63  }
0x2f: {  	s7 =	rddreg [dreg:$0x8]  }
0x30: {  	[tilespmem:s7], [sflag:$0x1] =	stream.indirect_vreg.gather [hbm4b:s1+s3], $0x80, v3, vm0, $0xb8;
	[tilespmem:$0x10100] =	vst v63  }
0x31: {  	v3 =	vld [tilespmem:$0x20];
	_ =	sdelay $0x4  }
0x32: {  	v50 =	vshll.u32 v3, $0x1  }
0x33: {  	v3 =	vand.u32 $0x7, v3;
	v4 =	vand.u32 $0xFFFFFFF0, v50  }
0x34: {  	v3 =	vor.u32 v3, v4  }
0x35: {  	v4 =	vperm.xlane v3, v0;
	_ =	sdelay $0x1  }
0x36: {  	v3 =	vperm.xlane v3, v2;
	v4 =	vadd.s32 v1, v4;
	_ =	sdelay $0x1  }
0x37: {  	v3 =	vadd.s32 v1, v3;
	_ =	sdelay $0x1  }
0x38: {  	s0 =	rddreg [dreg:$0x9]  }
0x39: {  	[tilespmem:s0], [sflag:$0x1] =	stream.indirect_vreg.gather [hbm4b:s1+s3], $0x80, v4, vm0, $0xb8;
	[tilespmem:$0x10100] =	vst v63  }
0x3a: {  	s7 =	rddreg [dreg:$0xa]  }
0x3b: {  	[tilespmem:s7], [sflag:$0x1] =	stream.indirect_vreg.gather [hbm4b:s1+s3], $0x80, v3, vm0, $0xb8;
	[tilespmem:$0x10100] =	vst v63  }
0x3c: {  	v3 =	vld [tilespmem:$0x30];
	_ =	sdelay $0x4  }
0x3d: {  	v51 =	vshll.u32 v3, $0x1  }
0x3e: {  	v3 =	vand.u32 $0x7, v3;
	v4 =	vand.u32 $0xFFFFFFF0, v51  }
0x3f: {  	v3 =	vor.u32 v3, v4  }
0x40: {  	v4 =	vperm.xlane v3, v0;
	_ =	sdelay $0x1  }
0x41: {  	v3 =	vperm.xlane v3, v2;
	v4 =	vadd.s32 v1, v4;
	_ =	sdelay $0x1  }
0x42: {  	v3 =	vadd.s32 v1, v3;
	_ =	sdelay $0x1  }
0x43: {  	s0 =	rddreg [dreg:$0xb]  }
0x44: {  	[tilespmem:s0], [sflag:$0x1] =	stream.indirect_vreg.gather [hbm4b:s1+s3], $0x80, v4, vm0, $0xb8;
	[tilespmem:$0x10100] =	vst v63  }
0x45: {  	s7 =	rddreg [dreg:$0xc]  }
0x46: {  	[tilespmem:s7], [sflag:$0x1] =	stream.indirect_vreg.gather [hbm4b:s1+s3], $0x80, v3, vm0, $0xb8;
	[tilespmem:$0x10100] =	vst v63  }
0x47: {  	v3 =	vld [tilespmem:$0x40];
	_ =	sdelay $0x4  }
0x48: {  	v52 =	vshll.u32 v3, $0x1  }
0x49: {  	v3 =	vand.u32 $0x7, v3;
	v4 =	vand.u32 $0xFFFFFFF0, v52  }
0x4a: {  	v3 =	vor.u32 v3, v4  }
0x4b: {  	v4 =	vperm.xlane v3, v0;
	_ =	sdelay $0x1  }
0x4c: {  	v3 =	vperm.xlane v3, v2;
	v4 =	vadd.s32 v1, v4;
	_ =	sdelay $0x1  }
0x4d: {  	v3 =	vadd.s32 v1, v3;
	_ =	sdelay $0x1  }
0x4e: {  	s7 =	simm.s32 $0x4100  }
0x4f: {  	[tilespmem:s7], [sflag:$0x1] =	stream.indirect_vreg.gather [hbm4b:s1+s3], $0x80, v4, vm0, $0xb8;
	[tilespmem:$0x10100] =	vst v63  }
0x50: {  	_ = 	snop  }
0x51: {  	[tilespmem:s8], [sflag:$0x1] =	stream.indirect_vreg.gather [hbm4b:s1+s3], $0x80, v3, vm0, $0xb8;
	[tilespmem:$0x10100] =	vst v63  }
0x52: {  	v3 =	vld [tilespmem:$0x50];
	_ =	sdelay $0x4  }
0x53: {  	v53 =	vshll.u32 v3, $0x1  }
0x54: {  	v3 =	vand.u32 $0x7, v3;
	v4 =	vand.u32 $0xFFFFFFF0, v53  }
0x55: {  	v3 =	vor.u32 v3, v4  }
0x56: {  	v4 =	vperm.xlane v3, v0;
	_ =	sdelay $0x1  }
0x57: {  	v3 =	vperm.xlane v3, v2;
	v4 =	vadd.s32 v1, v4;
	_ =	sdelay $0x1  }
0x58: {  	v3 =	vadd.s32 v1, v3;
	_ =	sdelay $0x2  }
0x59: {  	[tilespmem:s9], [sflag:$0x1] =	stream.indirect_vreg.gather [hbm4b:s1+s3], $0x80, v4, vm0, $0xb8;
	[tilespmem:$0x10100] =	vst v63  }
0x5a: {  	_ = 	snop  }
0x5b: {  	[tilespmem:s10], [sflag:$0x1] =	stream.indirect_vreg.gather [hbm4b:s1+s3], $0x80, v3, vm0, $0xb8;
	[tilespmem:$0x10100] =	vst v63  }
0x5c: {  	v3 =	vld [tilespmem:$0x60];
	_ =	sdelay $0x4  }
0x5d: {  	v54 =	vshll.u32 v3, $0x1  }
0x5e: {  	v3 =	vand.u32 $0x7, v3;
	v4 =	vand.u32 $0xFFFFFFF0, v54  }
0x5f: {  	v3 =	vor.u32 v3, v4  }
0x60: {  	v4 =	vperm.xlane v3, v0;
	_ =	sdelay $0x1  }
0x61: {  	v3 =	vperm.xlane v3, v2;
	v4 =	vadd.s32 v1, v4;
	_ =	sdelay $0x1  }
0x62: {  	v3 =	vadd.s32 v1, v3;
	_ =	sdelay $0x2  }
0x63: {  	[tilespmem:s11], [sflag:$0x1] =	stream.indirect_vreg.gather [hbm4b:s1+s3], $0x80, v4, vm0, $0xb8;
	[tilespmem:$0x10100] =	vst v63  }
0x64: {  	_ = 	snop  }
0x65: {  	[tilespmem:s12], [sflag:$0x1] =	stream.indirect_vreg.gather [hbm4b:s1+s3], $0x80, v3, vm0, $0xb8;
	[tilespmem:$0x10100] =	vst v63  }
0x66: {  	v3 =	vld [tilespmem:$0x70];
	_ =	sdelay $0x4  }
0x67: {  	v55 =	vshll.u32 v3, $0x1  }
0x68: {  	v3 =	vand.u32 $0x7, v3;
	v4 =	vand.u32 $0xFFFFFFF0, v55  }
0x69: {  	v3 =	vor.u32 v3, v4  }
0x6a: {  	v4 =	vperm.xlane v3, v0;
	_ =	sdelay $0x1  }
0x6b: {  	v3 =	vperm.xlane v3, v2;
	v4 =	vadd.s32 v1, v4;
	_ =	sdelay $0x1  }
0x6c: {  	v3 =	vadd.s32 v1, v3;
	_ =	sdelay $0x2  }
0x6d: {  	[tilespmem:s13], [sflag:$0x1] =	stream.indirect_vreg.gather [hbm4b:s1+s3], $0x80, v4, vm0, $0xb8;
	[tilespmem:$0x10100] =	vst v63  }
0x6e: {  	_ = 	snop  }
0x6f: {  	[tilespmem:s14], [sflag:$0x1] =	stream.indirect_vreg.gather [hbm4b:s1+s3], $0x80, v3, vm0, $0xb8;
	[tilespmem:$0x10100] =	vst v63  }
0x70: {  	v3 =	vld [tilespmem:$0x80];
	_ =	sdelay $0x4  }
0x71: {  	v56 =	vshll.u32 v3, $0x1  }
0x72: {  	v3 =	vand.u32 $0x7, v3;
	v4 =	vand.u32 $0xFFFFFFF0, v56  }
0x73: {  	v3 =	vor.u32 v3, v4  }
0x74: {  	v4 =	vperm.xlane v3, v0;
	_ =	sdelay $0x1  }
0x75: {  	v3 =	vperm.xlane v3, v2;
	v4 =	vadd.s32 v1, v4;
	_ =	sdelay $0x1  }
0x76: {  	v3 =	vadd.s32 v1, v3;
	_ =	sdelay $0x2  }
0x77: {  	[tilespmem:s15], [sflag:$0x1] =	stream.indirect_vreg.gather [hbm4b:s1+s3], $0x80, v4, vm0, $0xb8;
	[tilespmem:$0x10100] =	vst v63  }
0x78: {  	_ = 	snop  }
0x79: {  	[tilespmem:s16], [sflag:$0x1] =	stream.indirect_vreg.gather [hbm4b:s1+s3], $0x80, v3, vm0, $0xb8;
	[tilespmem:$0x10100] =	vst v63  }
0x7a: {  	v3 =	vld [tilespmem:$0x90];
	_ =	sdelay $0x4  }
0x7b: {  	v57 =	vshll.u32 v3, $0x1  }
0x7c: {  	v3 =	vand.u32 $0x7, v3;
	v4 =	vand.u32 $0xFFFFFFF0, v57  }
0x7d: {  	v3 =	vor.u32 v3, v4  }
0x7e: {  	v4 =	vperm.xlane v3, v0;
	_ =	sdelay $0x1  }
0x7f: {  	v3 =	vperm.xlane v3, v2;
	v4 =	vadd.s32 v1, v4;
	_ =	sdelay $0x1  }
0x80: {  	v3 =	vadd.s32 v1, v3;
	_ =	sdelay $0x2  }
0x81: {  	[tilespmem:s17], [sflag:$0x1] =	stream.indirect_vreg.gather [hbm4b:s1+s3], $0x80, v4, vm0, $0xb8;
	[tilespmem:$0x10100] =	vst v63  }
0x82: {  	_ = 	snop  }
0x83: {  	[tilespmem:s18], [sflag:$0x1] =	stream.indirect_vreg.gather [hbm4b:s1+s3], $0x80, v3, vm0, $0xb8;
	[tilespmem:$0x10100] =	vst v63  }
0x84: {  	v3 =	vld [tilespmem:$0xA0];
	_ =	sdelay $0x4  }
0x85: {  	v58 =	vshll.u32 v3, $0x1  }
0x86: {  	v3 =	vand.u32 $0x7, v3;
	v4 =	vand.u32 $0xFFFFFFF0, v58  }
0x87: {  	v3 =	vor.u32 v3, v4  }
0x88: {  	v4 =	vperm.xlane v3, v0;
	_ =	sdelay $0x1  }
0x89: {  	v3 =	vperm.xlane v3, v2;
	v4 =	vadd.s32 v1, v4;
	_ =	sdelay $0x1  }
0x8a: {  	v3 =	vadd.s32 v1, v3;
	_ =	sdelay $0x2  }
0x8b: {  	[tilespmem:s19], [sflag:$0x1] =	stream.indirect_vreg.gather [hbm4b:s1+s3], $0x80, v4, vm0, $0xb8;
	[tilespmem:$0x10100] =	vst v63  }
0x8c: {  	_ = 	snop  }
0x8d: {  	[tilespmem:s20], [sflag:$0x1] =	stream.indirect_vreg.gather [hbm4b:s1+s3], $0x80, v3, vm0, $0xb8;
	[tilespmem:$0x10100] =	vst v63  }
0x8e: {  	v3 =	vld [tilespmem:$0xB0];
	_ =	sdelay $0x4  }
0x8f: {  	v59 =	vshll.u32 v3, $0x1  }
0x90: {  	v3 =	vand.u32 $0x7, v3;
	v4 =	vand.u32 $0xFFFFFFF0, v59  }
0x91: {  	v3 =	vor.u32 v3, v4  }
0x92: {  	v4 =	vperm.xlane v3, v0;
	_ =	sdelay $0x1  }
0x93: {  	v3 =	vperm.xlane v3, v2;
	v4 =	vadd.s32 v1, v4;
	_ =	sdelay $0x1  }
0x94: {  	v3 =	vadd.s32 v1, v3;
	_ =	sdelay $0x2  }
0x95: {  	[tilespmem:s21], [sflag:$0x1] =	stream.indirect_vreg.gather [hbm4b:s1+s3], $0x80, v4, vm0, $0xb8;
	[tilespmem:$0x10100] =	vst v63  }
0x96: {  	_ = 	snop  }
0x97: {  	[tilespmem:s22], [sflag:$0x1] =	stream.indirect_vreg.gather [hbm4b:s1+s3], $0x80, v3, vm0, $0xb8;
	[tilespmem:$0x10100] =	vst v63  }
0x98: {  	v3 =	vld [tilespmem:$0xC0];
	_ =	sdelay $0x4  }
0x99: {  	v60 =	vshll.u32 v3, $0x1  }
0x9a: {  	v3 =	vand.u32 $0x7, v3;
	v4 =	vand.u32 $0xFFFFFFF0, v60  }
0x9b: {  	v3 =	vor.u32 v3, v4  }
0x9c: {  	v4 =	vperm.xlane v3, v0;
	_ =	sdelay $0x1  }
0x9d: {  	v3 =	vperm.xlane v3, v2;
	v4 =	vadd.s32 v1, v4;
	_ =	sdelay $0x1  }
0x9e: {  	v3 =	vadd.s32 v1, v3;
	_ =	sdelay $0x2  }
0x9f: {  	[tilespmem:s23], [sflag:$0x1] =	stream.indirect_vreg.gather [hbm4b:s1+s3], $0x80, v4, vm0, $0xb8;
	[tilespmem:$0x10100] =	vst v63  }
0xa0: {  	_ = 	snop  }
0xa1: {  	[tilespmem:s24], [sflag:$0x1] =	stream.indirect_vreg.gather [hbm4b:s1+s3], $0x80, v3, vm0, $0xb8;
	[tilespmem:$0x10100] =	vst v63  }
0xa2: {  	v3 =	vld [tilespmem:$0xD0];
	_ =	sdelay $0x4  }
0xa3: {  	v61 =	vshll.u32 v3, $0x1  }
0xa4: {  	v3 =	vand.u32 $0x7, v3;
	v4 =	vand.u32 $0xFFFFFFF0, v61  }
0xa5: {  	v3 =	vor.u32 v3, v4  }
0xa6: {  	v4 =	vperm.xlane v3, v0;
	_ =	sdelay $0x1  }
0xa7: {  	v3 =	vperm.xlane v3, v2;
	v4 =	vadd.s32 v1, v4;
	_ =	sdelay $0x1  }
0xa8: {  	v3 =	vadd.s32 v1, v3;
	_ =	sdelay $0x2  }
0xa9: {  	[tilespmem:s25], [sflag:$0x1] =	stream.indirect_vreg.gather [hbm4b:s1+s3], $0x80, v4, vm0, $0xb8;
	[tilespmem:$0x10100] =	vst v63  }
0xaa: {  	_ = 	snop  }
0xab: {  	[tilespmem:s26], [sflag:$0x1] =	stream.indirect_vreg.gather [hbm4b:s1+s3], $0x80, v3, vm0, $0xb8;
	[tilespmem:$0x10100] =	vst v63  }
0xac: {  	v3 =	vld [tilespmem:$0xE0];
	_ =	sdelay $0x4  }
0xad: {  	v62 =	vshll.u32 v3, $0x1  }
0xae: {  	v3 =	vand.u32 $0x7, v3;
	v4 =	vand.u32 $0xFFFFFFF0, v62  }
0xaf: {  	v3 =	vor.u32 v3, v4  }
0xb0: {  	v4 =	vperm.xlane v3, v0;
	_ =	sdelay $0x1  }
0xb1: {  	v3 =	vperm.xlane v3, v2;
	v4 =	vadd.s32 v1, v4;
	_ =	sdelay $0x1  }
0xb2: {  	v3 =	vadd.s32 v1, v3;
	_ =	sdelay $0x2  }
0xb3: {  	[tilespmem:s28], [sflag:$0x1] =	stream.indirect_vreg.gather [hbm4b:s1+s3], $0x80, v4, vm0, $0xb8;
	[tilespmem:$0x10100] =	vst v63  }
0xb4: {  	_ = 	snop  }
0xb5: {  	[tilespmem:s29], [sflag:$0x1] =	stream.indirect_vreg.gather [hbm4b:s1+s3], $0x80, v3, vm0, $0xb8;
	[tilespmem:$0x10100] =	vst v63  }
0xb6: {  	v3 =	vld [tilespmem:$0xF0];
	_ =	sdelay $0x4  }
0xb7: {  	v63 =	vshll.u32 v3, $0x1  }
0xb8: {  	v3 =	vand.u32 $0x7, v3;
	v4 =	vand.u32 $0xFFFFFFF0, v63  }
0xb9: {  	v3 =	vor.u32 v3, v4  }
0xba: {  	v4 =	vperm.xlane v3, v0;
	_ =	sdelay $0x1  }
0xbb: {  	v3 =	vperm.xlane v3, v2;
	v4 =	vadd.s32 v1, v4;
	_ =	sdelay $0x1  }
0xbc: {  	v3 =	vadd.s32 v1, v3;
	_ =	sdelay $0x2  }
0xbd: {  	[tilespmem:s30], [sflag:$0x1] =	stream.indirect_vreg.gather [hbm4b:s1+s3], $0x80, v4, vm0, $0xb8;
	[tilespmem:$0x10100] =	vst v63  }
0xbe: {  	_ = 	snop  }
0xbf: {  	[tilespmem:s31], [sflag:$0x1] =	stream.indirect_vreg.gather [hbm4b:s1+s3], $0x80, v3, vm0, $0xb8;
	[tilespmem:$0x10100] =	vst v63  }
0xc0: {  	_ =	swait.ge [sflag:s2], $0x10000  }
0xc1: {  	p0 =	sne.s32 s4, $0x1;
	[sflag:s2] =	ssyncset.done $0x0  }
.Ltmp0:
0xc2: {  	s7 =	rddreg [dreg:$0x5];
	[sflag:s2] =	ssyncadd.s32 $0xFFFF0000;
	(pc) =	sbr.rel @p0 .LBB2_1-.Ltmp0, $4  }
0xc3: {  	[hbm4b:s7+s3] =	stream.linear.scatter [tilespmem:s6], [sflag:$0x2], $0x10000, $0x38;
	[tilespmem:$0x10100] =	vst v63  }
0xc4: {  	_ =	swait.ge [sflag:s5], $0x10000  }
0xc5: {  	[sflag:s5] =	ssyncset.done $0x0  }
0xc6: {  	s4 =	sadd.s32 $0xFFFFFFFF, s4;
	[sflag:s5] =	ssyncadd.s32 $0xFFFF0000  }
0xc7: {  	_ =	sfence.sel $0x180000  }
0xc8: {  	[bflag:$0x0] =	sbarrier.arrive $0xFFFF  }
0xc9: {  	_ =	strace $0x90000047  }
0xca: {  	s0 =	stileid.u32;
	[bflag:$0x2] =	sbarrier.arrive $0xFFFF  }
0xcb: {  	p0 =	sne.s32 s0, $0x0;
	s0 =	rddreg [dreg:$0x3]  }
0xcc: {  	s0 =	sadd.s32 @!p0 $0x100000, s0  }
0xcd: {  	[sflag:s0] =	ssyncadd.tile.s32 @!p0 $0x1;
	_ =	shalt  }
.Lfunc_end2:
_tile_overlayer_lowered:
.L_overlay_start_2:
0xce: {  	(tag) =	ssettag $0x2  }
0xcf: {  	s0 =	rddreg [dreg:$0x0];
	s2 =	stileid.u32  }
0xd0: {  	s1 =	rddreg [dreg:$0x1];
	p0 =	sne.s32 s2, $0x0  }
0xd1: {  	s3 =	rddreg [dreg:$0x2];
	[bflag:$0x3] =	sbarrier.arrive $0xFFFF;
	s2 =	simm.s32 @!p0 $0x1C02  }
0xd2: {  	[timem:s3], [sflag:s2] =	dma.local @!p0 [hbm:s0], s1  }
0xd3: {  	s0 =	simm.s32 @!p0 $0x2  }
0xd4: {  	_ =	swait.ge @!p0 [sflag:s0], s1  }
0xd5: {  	s1 =	ssub.s32 @!p0 $0x0, s1;
	[sflag:s0] =	ssyncset.done @!p0 $0x0  }
0xd6: {  	[sflag:s0] =	ssyncadd.s32 @!p0 s1  }
0xd7: {  	[bflag:$0x3] =	sbarrier.arrive $0xFFFF  }
0xd8: {  	_ =	shalt  }

</sc_bundles>
